<compile_context>
chip_gen: v7x
topology: tpu7x:2x2x1
jax: 0.10.2.dev20260603
libtpu: 0.0.44.dev20260713+nightly
codegen_flags: <defaults>
</compile_context>

<pallas_src>
import functools

import jax
import jax.numpy as jnp
from jax import lax
from jax.experimental import pallas as pl
from jax.experimental.pallas import tpu as pltpu
from jax.experimental.pallas import tpu_sc as plsc

RES_H = 16
RES_W = 16
FEAT = 4
GRID_D = RES_H * RES_W * FEAT
OUT_D = 4
EX_PER_BLK = 32
NPTS = 128

_DN0 = (((0,), (0,)), ((), ()))


def _sc_gather(table, idx):
    num_rows, d = table.shape
    nw, n_chunks, chunk = idx.shape
    b = nw * n_chunks * chunk
    info = plsc.get_sparse_core_info()
    assert nw == info.num_cores * info.num_subcores
    b_per_w = b // nw
    mesh = plsc.VectorSubcoreMesh(core_axis_name="c", subcore_axis_name="s")

    @functools.partial(
        pl.kernel,
        out_type=jax.ShapeDtypeStruct((b, d), jnp.float32),
        mesh=mesh,
        scratch_types=[
            pltpu.VMEM((n_chunks, chunk), jnp.int32),
            pltpu.VMEM((2, chunk, d), jnp.float32),
            pltpu.SemaphoreType.DMA,
            pltpu.SemaphoreType.DMA,
        ],
    )
    def gather_kernel(table_hbm, idx_hbm, out_hbm, idx_v, rows_v, sem0, sem1):
        wid = lax.axis_index("s") * info.num_cores + lax.axis_index("c")
        base = wid * b_per_w
        pltpu.sync_copy(idx_hbm.at[wid], idx_v)
        sems = (sem0, sem1)
        copies = [None, None]
        copies[0] = pltpu.async_copy(
            table_hbm.at[idx_v.at[0]], rows_v.at[0], sem0)
        for c in range(n_chunks):
            cur = c % 2
            nxt = (c + 1) % 2
            if c + 1 < n_chunks:
                copies[nxt] = pltpu.async_copy(
                    table_hbm.at[idx_v.at[c + 1]], rows_v.at[nxt], sems[nxt])
            copies[cur].wait()
            pltpu.sync_copy(rows_v.at[cur],
                            out_hbm.at[pl.ds(base + c * chunk, chunk)])

    return gather_kernel(table, idx)


def _interp_mlp_body(xrh_ref, xrl_ref, g_ref, dmat_ref, ycol_ref, xcol_ref,
                     selt_ref, w0t_ref, b0_ref, w1t_ref, b1_ref, w2t_ref,
                     b2_ref, o_ref):
    gsb = g_ref[...]
    ycol = ycol_ref[...]
    xcol = xcol_ref[...]
    selt = selt_ref[...]

    dmat = dmat_ref[...]
    mh = jnp.dot(xrh_ref[...], dmat, preferred_element_type=jnp.float32)
    ml = jnp.dot(xrl_ref[...], dmat, preferred_element_type=jnp.float32)
    loc = mh + (ml + 7.5)

    feat_parts = []
    for e in range(EX_PER_BLK):
        lx = loc[e, :NPTS]
        ly = loc[e, NPTS:]
        yhat = jnp.maximum(0.0, 1.0 - jnp.abs(ly - ycol))
        xhat = jnp.maximum(0.0, 1.0 - jnp.abs(lx - xcol))
        g_e = gsb[e * RES_H:(e + 1) * RES_H, :]
        tmp = lax.dot_general(g_e, yhat, _DN0,
                              preferred_element_type=jnp.float32)
        prod = tmp * xhat
        feat_parts.append(
            jnp.dot(selt, prod, preferred_element_type=jnp.float32))
    featt = jnp.concatenate(feat_parts, axis=1)

    h = jnp.dot(w0t_ref[...], featt,
                preferred_element_type=jnp.float32) + b0_ref[...]
    h = jnp.maximum(h, 0.01 * h)
    h = jnp.dot(w1t_ref[...], h,
                preferred_element_type=jnp.float32) + b1_ref[...]
    h = jnp.maximum(h, 0.01 * h)
    ot = jnp.dot(w2t_ref[...], h,
                 preferred_element_type=jnp.float32) + b2_ref[...]
    o_ref[...] = jnp.transpose(ot)


def kernel(idx, x, emb, w0, b0, w1, b1, w2, b2):
    b = idx.shape[0]
    p = x.shape[1]
    n_pts = b * p

    idx2 = jnp.reshape(idx.astype(jnp.int32), (32, -1, 32))
    g = _sc_gather(emb, idx2)
    gs = jnp.reshape(g, (b * RES_H, RES_W * FEAT))
    xr = jnp.reshape(x, (b, 2 * p))
    xrh = lax.bitcast_convert_type(
        lax.bitcast_convert_type(xr, jnp.uint32) & jnp.uint32(0xFFFF0000),
        jnp.float32)
    xrl = xr - xrh

    i2 = jnp.arange(2 * p, dtype=jnp.int32)
    j2 = jnp.arange(2 * p, dtype=jnp.int32)
    dmat = jnp.where((((i2[:, None] & 1) * p + (i2[:, None] >> 1)) == j2[None, :]),
                     jnp.float32(RES_W - 1), jnp.float32(0.0))

    ycol = jnp.arange(RES_H, dtype=jnp.float32).reshape(RES_H, 1)
    xcol = (jnp.arange(RES_W * FEAT, dtype=jnp.int32) >> 2).astype(
        jnp.float32).reshape(RES_W * FEAT, 1)
    selt = ((jnp.arange(RES_W * FEAT, dtype=jnp.int32)[None, :] & 3)
            == jnp.arange(FEAT, dtype=jnp.int32)[:, None]).astype(jnp.float32)

    blk_pts = EX_PER_BLK * p
    full = lambda i: (0, 0)
    out = pl.pallas_call(
        _interp_mlp_body,
        grid=(b // EX_PER_BLK,),
        in_specs=[
            pl.BlockSpec((EX_PER_BLK, 2 * p), lambda i: (i, 0)),
            pl.BlockSpec((EX_PER_BLK, 2 * p), lambda i: (i, 0)),
            pl.BlockSpec((EX_PER_BLK * RES_H, RES_W * FEAT), lambda i: (i, 0)),
            pl.BlockSpec((2 * p, 2 * p), full),
            pl.BlockSpec((RES_H, 1), full),
            pl.BlockSpec((RES_W * FEAT, 1), full),
            pl.BlockSpec((FEAT, RES_W * FEAT), full),
            pl.BlockSpec((64, FEAT), full),
            pl.BlockSpec((64, 1), full),
            pl.BlockSpec((64, 64), full),
            pl.BlockSpec((64, 1), full),
            pl.BlockSpec((OUT_D, 64), full),
            pl.BlockSpec((OUT_D, 1), full),
        ],
        out_specs=pl.BlockSpec((blk_pts, OUT_D), lambda i: (i, 0)),
        out_shape=jax.ShapeDtypeStruct((n_pts, OUT_D), jnp.float32),
        compiler_params=pltpu.CompilerParams(
            dimension_semantics=("arbitrary",)),
    )(xrh, xrl, gs, dmat, ycol, xcol, selt, jnp.transpose(w0),
      jnp.reshape(b0, (64, 1)), jnp.transpose(w1), jnp.reshape(b1, (64, 1)),
      jnp.transpose(w2), jnp.reshape(b2, (OUT_D, 1)))
    return jnp.reshape(out, (b, p, OUT_D))

# --- scband reference (transcript-rebuilt; emitter-appended) ---
"""Pipeline reference for scband-feat-iterp-nfmlp-22428319220266 (READ-ONLY COPY).

The authoritative reference and input builder live on the scoring server;
editing this copy changes nothing except your own understanding.
"""

import jax, jax.numpy as jnp
import numpy as np

RES = (16, 16)
FEAT_DIM = 4
NUM_EMB = 100000
OUT_DIM = 4


def setup_inputs(seed: int = 0) -> dict:
    key = jax.random.key(seed)
    ks = jax.random.split(key, 8)
    idx = jax.random.randint(ks[0], (4096,), 0, NUM_EMB)
    x = jax.random.uniform(ks[1], (4096, 128, 2), jnp.float32, minval=-0.5, maxval=0.5)
    ttl = FEAT_DIM * RES[0] * RES[1]
    emb = jax.random.normal(ks[2], (NUM_EMB, ttl), jnp.float32) * 0.02
    w0 = jax.random.normal(ks[3], (FEAT_DIM, 64), jnp.float32) / np.sqrt(FEAT_DIM)
    b0 = jnp.zeros((64,), jnp.float32)
    w1 = jax.random.normal(ks[4], (64, 64), jnp.float32) / np.sqrt(64.0)
    b1 = jnp.zeros((64,), jnp.float32)
    w2 = jax.random.normal(ks[5], (64, OUT_DIM), jnp.float32) / np.sqrt(64.0)
    b2 = jnp.zeros((OUT_DIM,), jnp.float32)
    return {"idx": idx, "x": x, "emb": emb, "w0": w0, "b0": b0, "w1": w1, "b1": b1, "w2": w2, "b2": b2}


def _resample_one(data, loc):
    # data: [1, H, W, C]; loc: [P, 2] in xy order. CONSTANT_OUTSIDE -> zero padding.
    d = jnp.pad(data[0], ((1, 1), (1, 1), (0, 0)))
    loc = loc + 1.0
    xx = loc[..., 0]
    yy = loc[..., 1]
    x0 = jnp.floor(xx)
    y0 = jnp.floor(yy)
    wx = xx - x0
    wy = yy - y0
    H = d.shape[0]
    W = d.shape[1]

    def g(yi, xi):
        yi = jnp.clip(yi.astype(jnp.int32), 0, H - 1)
        xi = jnp.clip(xi.astype(jnp.int32), 0, W - 1)
        return d[yi, xi]

    return (g(y0, x0) * ((1.0 - wy) * (1.0 - wx))[..., None]
            + g(y0, x0 + 1.0) * ((1.0 - wy) * wx)[..., None]
            + g(y0 + 1.0, x0) * (wy * (1.0 - wx))[..., None]
            + g(y0 + 1.0, x0 + 1.0) * (wy * wx)[..., None])


def reference(idx, x, emb, w0, b0, w1, b1, w2, b2):
    x_shape = x.shape
    nexmp = int(np.prod(idx.shape))
    npnts = int(np.prod(x.shape[len(idx.shape):-1]))
    idxf = jnp.reshape(idx, (nexmp,))
    feat = jnp.take(emb, idxf, axis=0)
    feat = jnp.reshape(feat, (nexmp, 1, RES[0], RES[1], FEAT_DIM))
    xr = jnp.reshape(x, (nexmp, npnts, 2))
    resolution = jnp.broadcast_to(jnp.array(RES, jnp.float32), xr.shape)
    locations = (xr + 0.5) * (resolution - 1.0)
    feat = jax.vmap(_resample_one, in_axes=(0, 0), out_axes=0)(feat, locations)
    h = jax.nn.leaky_relu(feat @ w0 + b0, negative_slope=0.01)
    h = jax.nn.leaky_relu(h @ w1 + b1, negative_slope=0.01)
    out = h @ w2 + b2
    return jnp.reshape(out, tuple(x_shape[:-1]) + (OUT_DIM,))

if __name__ == "__main__":
    import jax
    _d = setup_inputs()
    print(jax.jit(kernel)(*tuple(_d.values())))

</pallas_src>

<mosaic_0001>
#map = affine_map<(d0, d1) -> (0, 0)>
#map1 = affine_map<(d0, d1) -> (0, 0, 0)>
module attributes {stable_mosaic.version = 14 : i64} {
  func.func @gather_kernel(%arg0: i32, %arg1: i32, %arg2: memref<100000x1024xf32, #tpu.memory_space<hbm>>, %arg3: memref<32x4x32xi32, #tpu.memory_space<hbm>>, %arg4: memref<4096x1024xf32, #tpu.memory_space<hbm>>, %arg5: memref<4x32xi32, #tpu.memory_space<vmem>>, %arg6: memref<2x32x1024xf32, #tpu.memory_space<vmem>>, %arg7: memref<!tpu.dma_semaphore, #tpu.memory_space<semaphore_mem>>, %arg8: memref<!tpu.dma_semaphore, #tpu.memory_space<semaphore_mem>>) attributes {dimension_semantics = [#tpu.dimension_semantics<core_parallel>, #tpu.dimension_semantics<subcore_parallel>], iteration_bounds = array<i64: 2, 16>, scalar_prefetch = 0 : i64, scratch_operands = 4 : i64, tpu.core_type = #tpu.core_type<sc_vector_subcore>, window_params = [{transform_indices = #map}, {transform_indices = #map1}, {transform_indices = #map}]} {
    %mul3A = arith.constant 2 : i32
    %mul3A_0 = arith.muli %arg1, %mul3A : i32
    %add3A = arith.addi %mul3A_0, %arg0 : i32
    %mul3A_1 = arith.constant 128 : i32
    %mul3A_2 = arith.muli %add3A, %mul3A_1 : i32
    "tpu.region"() ({
      %run_scoped3A_108 = tpu.sem_alloc : memref<!tpu.dma_semaphore, #tpu.memory_space<semaphore_mem>>
      %dma_start3A_109 = arith.constant 0 : i32
      %dma_start3A_110 = arith.constant 0 : i32
      %dma_start3A_111 = tpu.memref_slice %arg3[%add3A, %dma_start3A_109, %dma_start3A_110] : memref<32x4x32xi32, #tpu.memory_space<hbm>> -> memref<1x4x32xi32, #tpu.memory_space<hbm>>
      %dma_start3A_112 = tpu.memref_squeeze %dma_start3A_111 : memref<1x4x32xi32, #tpu.memory_space<hbm>> -> memref<4x32xi32, #tpu.memory_space<hbm>>
      %dma_start3A_113 = arith.constant 0 : i32
      %dma_start3A_114 = arith.constant 0 : i32
      %dma_start3A_115 = tpu.memref_slice %arg3[%add3A, %dma_start3A_113, %dma_start3A_114] : memref<32x4x32xi32, #tpu.memory_space<hbm>> -> memref<1x4x32xi32, #tpu.memory_space<hbm>>
      %dma_start3A_116 = tpu.memref_squeeze %dma_start3A_115 : memref<1x4x32xi32, #tpu.memory_space<hbm>> -> memref<4x32xi32, #tpu.memory_space<hbm>>
      tpu.enqueue_dma source(%dma_start3A_116 : memref<4x32xi32, #tpu.memory_space<hbm>>) target(%arg5 : memref<4x32xi32, #tpu.memory_space<vmem>>) target_semaphore(%run_scoped3A_108 : memref<!tpu.dma_semaphore, #tpu.memory_space<semaphore_mem>>)
      %dma_wait3A_117 = arith.constant 0 : i32
      %dma_wait3A_118 = arith.constant 0 : i32
      %dma_wait3A_119 = tpu.memref_slice %arg3[%add3A, %dma_wait3A_117, %dma_wait3A_118] : memref<32x4x32xi32, #tpu.memory_space<hbm>> -> memref<1x4x32xi32, #tpu.memory_space<hbm>>
      %dma_wait3A_120 = tpu.memref_squeeze %dma_wait3A_119 : memref<1x4x32xi32, #tpu.memory_space<hbm>> -> memref<4x32xi32, #tpu.memory_space<hbm>>
      %dma_wait3A_121 = arith.constant 0 : i32
      %dma_wait3A_122 = arith.constant 0 : i32
      %dma_wait3A_123 = tpu.memref_slice %arg3[%add3A, %dma_wait3A_121, %dma_wait3A_122] : memref<32x4x32xi32, #tpu.memory_space<hbm>> -> memref<1x4x32xi32, #tpu.memory_space<hbm>>
      %dma_wait3A_124 = tpu.memref_squeeze %dma_wait3A_123 : memref<1x4x32xi32, #tpu.memory_space<hbm>> -> memref<4x32xi32, #tpu.memory_space<hbm>>
      tpu.wait_dma2 semaphore(%run_scoped3A_108 : memref<!tpu.dma_semaphore, #tpu.memory_space<semaphore_mem>>) src(%dma_wait3A_124 : memref<4x32xi32, #tpu.memory_space<hbm>>) dst(%arg5 : memref<4x32xi32, #tpu.memory_space<vmem>>)
      tpu.yield
    }) : () -> ()
    %dma_start3A = arith.constant 0 : i32
    %dma_start3A_3 = arith.constant 0 : i32
    %dma_start3A_4 = arith.constant 0 : i32
    %dma_start3A_5 = arith.constant 0 : i32
    %dma_start3A_6 = tpu.memref_slice %arg6[%dma_start3A_3, %dma_start3A_4, %dma_start3A_5] : memref<2x32x1024xf32, #tpu.memory_space<vmem>> -> memref<1x32x1024xf32, #tpu.memory_space<vmem>>
    %dma_start3A_7 = tpu.memref_squeeze %dma_start3A_6 : memref<1x32x1024xf32, #tpu.memory_space<vmem>> -> memref<32x1024xf32, #tpu.memory_space<vmem>>
    %dma_start3A_8 = arith.constant 0 : i32
    %dma_start3A_9 = tpu.memref_slice %arg5[%dma_start3A, %dma_start3A_8] : memref<4x32xi32, #tpu.memory_space<vmem>> -> memref<1x32xi32, #tpu.memory_space<vmem>>
    %dma_start3A_10 = tpu.memref_squeeze %dma_start3A_9 : memref<1x32xi32, #tpu.memory_space<vmem>> -> memref<32xi32, #tpu.memory_space<vmem>>
    %dma_start3A_11 = arith.constant 0 : i32
    %dma_start3A_12 = arith.constant 0 : i32
    %dma_start3A_13 = tpu.memref_slice %arg2[%dma_start3A_11, %dma_start3A_12] : memref<100000x1024xf32, #tpu.memory_space<hbm>> -> memref<100000x1024xf32, #tpu.memory_space<hbm>>
    tpu.enqueue_indirect_dma source(%dma_start3A_13 : memref<100000x1024xf32, #tpu.memory_space<hbm>>) target(%dma_start3A_7 : memref<32x1024xf32, #tpu.memory_space<vmem>>) offsets(%dma_start3A_10 : memref<32xi32, #tpu.memory_space<vmem>>) semaphore(%arg7 : memref<!tpu.dma_semaphore, #tpu.memory_space<semaphore_mem>>)
    %dma_start3A_14 = arith.constant 1 : i32
    %dma_start3A_15 = arith.constant 1 : i32
    %dma_start3A_16 = arith.constant 0 : i32
    %dma_start3A_17 = arith.constant 0 : i32
    %dma_start3A_18 = tpu.memref_slice %arg6[%dma_start3A_15, %dma_start3A_16, %dma_start3A_17] : memref<2x32x1024xf32, #tpu.memory_space<vmem>> -> memref<1x32x1024xf32, #tpu.memory_space<vmem>>
    %dma_start3A_19 = tpu.memref_squeeze %dma_start3A_18 : memref<1x32x1024xf32, #tpu.memory_space<vmem>> -> memref<32x1024xf32, #tpu.memory_space<vmem>>
    %dma_start3A_20 = arith.constant 0 : i32
    %dma_start3A_21 = tpu.memref_slice %arg5[%dma_start3A_14, %dma_start3A_20] : memref<4x32xi32, #tpu.memory_space<vmem>> -> memref<1x32xi32, #tpu.memory_space<vmem>>
    %dma_start3A_22 = tpu.memref_squeeze %dma_start3A_21 : memref<1x32xi32, #tpu.memory_space<vmem>> -> memref<32xi32, #tpu.memory_space<vmem>>
    %dma_start3A_23 = arith.constant 0 : i32
    %dma_start3A_24 = arith.constant 0 : i32
    %dma_start3A_25 = tpu.memref_slice %arg2[%dma_start3A_23, %dma_start3A_24] : memref<100000x1024xf32, #tpu.memory_space<hbm>> -> memref<100000x1024xf32, #tpu.memory_space<hbm>>
    tpu.enqueue_indirect_dma source(%dma_start3A_25 : memref<100000x1024xf32, #tpu.memory_space<hbm>>) target(%dma_start3A_19 : memref<32x1024xf32, #tpu.memory_space<vmem>>) offsets(%dma_start3A_22 : memref<32xi32, #tpu.memory_space<vmem>>) semaphore(%arg8 : memref<!tpu.dma_semaphore, #tpu.memory_space<semaphore_mem>>)
    %dma_wait3A = arith.constant 0 : i32
    %dma_wait3A_26 = arith.constant 0 : i32
    %dma_wait3A_27 = arith.constant 0 : i32
    %dma_wait3A_28 = arith.constant 0 : i32
    %dma_wait3A_29 = tpu.memref_slice %arg6[%dma_wait3A_26, %dma_wait3A_27, %dma_wait3A_28] : memref<2x32x1024xf32, #tpu.memory_space<vmem>> -> memref<1x32x1024xf32, #tpu.memory_space<vmem>>
    %dma_wait3A_30 = tpu.memref_squeeze %dma_wait3A_29 : memref<1x32x1024xf32, #tpu.memory_space<vmem>> -> memref<32x1024xf32, #tpu.memory_space<vmem>>
    %dma_wait3A_31 = arith.constant 0 : i32
    %dma_wait3A_32 = tpu.memref_slice %arg5[%dma_wait3A, %dma_wait3A_31] : memref<4x32xi32, #tpu.memory_space<vmem>> -> memref<1x32xi32, #tpu.memory_space<vmem>>
    %dma_wait3A_33 = tpu.memref_squeeze %dma_wait3A_32 : memref<1x32xi32, #tpu.memory_space<vmem>> -> memref<32xi32, #tpu.memory_space<vmem>>
    %dma_wait3A_34 = arith.constant 0 : i32
    %dma_wait3A_35 = arith.constant 0 : i32
    %dma_wait3A_36 = tpu.memref_slice %arg2[%dma_wait3A_34, %dma_wait3A_35] : memref<100000x1024xf32, #tpu.memory_space<hbm>> -> memref<100000x1024xf32, #tpu.memory_space<hbm>>
    tpu.wait_indirect_dma semaphore(%arg7 : memref<!tpu.dma_semaphore, #tpu.memory_space<semaphore_mem>>) src(%dma_wait3A_36 : memref<100000x1024xf32, #tpu.memory_space<hbm>>) dst(%dma_wait3A_30 : memref<32x1024xf32, #tpu.memory_space<vmem>>)
    %add3A_37 = arith.constant 0 : i32
    %add3A_38 = arith.addi %mul3A_2, %add3A_37 : i32
    %run_scoped3A = arith.constant 0 : i32
    "tpu.region"() ({
      %run_scoped3A_108 = tpu.sem_alloc : memref<!tpu.dma_semaphore, #tpu.memory_space<semaphore_mem>>
      %dma_start3A_109 = arith.constant 0 : i32
      %dma_start3A_110 = arith.constant 0 : i32
      %dma_start3A_111 = tpu.memref_slice %arg6[%run_scoped3A, %dma_start3A_109, %dma_start3A_110] : memref<2x32x1024xf32, #tpu.memory_space<vmem>> -> memref<1x32x1024xf32, #tpu.memory_space<vmem>>
      %dma_start3A_112 = tpu.memref_squeeze %dma_start3A_111 : memref<1x32x1024xf32, #tpu.memory_space<vmem>> -> memref<32x1024xf32, #tpu.memory_space<vmem>>
      %dma_start3A_113 = arith.constant 0 : i32
      %dma_start3A_114 = tpu.memref_slice %arg4[%add3A_38, %dma_start3A_113] : memref<4096x1024xf32, #tpu.memory_space<hbm>> -> memref<32x1024xf32, #tpu.memory_space<hbm>>
      %dma_start3A_115 = arith.constant 0 : i32
      %dma_start3A_116 = tpu.memref_slice %arg4[%add3A_38, %dma_start3A_115] : memref<4096x1024xf32, #tpu.memory_space<hbm>> -> memref<32x1024xf32, #tpu.memory_space<hbm>>
      %dma_start3A_117 = arith.constant 0 : i32
      %dma_start3A_118 = arith.constant 0 : i32
      %dma_start3A_119 = tpu.memref_slice %arg6[%run_scoped3A, %dma_start3A_117, %dma_start3A_118] : memref<2x32x1024xf32, #tpu.memory_space<vmem>> -> memref<1x32x1024xf32, #tpu.memory_space<vmem>>
      %dma_start3A_120 = tpu.memref_squeeze %dma_start3A_119 : memref<1x32x1024xf32, #tpu.memory_space<vmem>> -> memref<32x1024xf32, #tpu.memory_space<vmem>>
      tpu.enqueue_dma source(%dma_start3A_120 : memref<32x1024xf32, #tpu.memory_space<vmem>>) target(%dma_start3A_116 : memref<32x1024xf32, #tpu.memory_space<hbm>>) target_semaphore(%run_scoped3A_108 : memref<!tpu.dma_semaphore, #tpu.memory_space<semaphore_mem>>)
      %dma_wait3A_121 = arith.constant 0 : i32
      %dma_wait3A_122 = arith.constant 0 : i32
      %dma_wait3A_123 = tpu.memref_slice %arg6[%run_scoped3A, %dma_wait3A_121, %dma_wait3A_122] : memref<2x32x1024xf32, #tpu.memory_space<vmem>> -> memref<1x32x1024xf32, #tpu.memory_space<vmem>>
      %dma_wait3A_124 = tpu.memref_squeeze %dma_wait3A_123 : memref<1x32x1024xf32, #tpu.memory_space<vmem>> -> memref<32x1024xf32, #tpu.memory_space<vmem>>
      %dma_wait3A_125 = arith.constant 0 : i32
      %dma_wait3A_126 = tpu.memref_slice %arg4[%add3A_38, %dma_wait3A_125] : memref<4096x1024xf32, #tpu.memory_space<hbm>> -> memref<32x1024xf32, #tpu.memory_space<hbm>>
      %dma_wait3A_127 = arith.constant 0 : i32
      %dma_wait3A_128 = tpu.memref_slice %arg4[%add3A_38, %dma_wait3A_127] : memref<4096x1024xf32, #tpu.memory_space<hbm>> -> memref<32x1024xf32, #tpu.memory_space<hbm>>
      %dma_wait3A_129 = arith.constant 0 : i32
      %dma_wait3A_130 = arith.constant 0 : i32
      %dma_wait3A_131 = tpu.memref_slice %arg6[%run_scoped3A, %dma_wait3A_129, %dma_wait3A_130] : memref<2x32x1024xf32, #tpu.memory_space<vmem>> -> memref<1x32x1024xf32, #tpu.memory_space<vmem>>
      %dma_wait3A_132 = tpu.memref_squeeze %dma_wait3A_131 : memref<1x32x1024xf32, #tpu.memory_space<vmem>> -> memref<32x1024xf32, #tpu.memory_space<vmem>>
      tpu.wait_dma2 semaphore(%run_scoped3A_108 : memref<!tpu.dma_semaphore, #tpu.memory_space<semaphore_mem>>) src(%dma_wait3A_132 : memref<32x1024xf32, #tpu.memory_space<vmem>>) dst(%dma_wait3A_128 : memref<32x1024xf32, #tpu.memory_space<hbm>>)
      tpu.yield
    }) : () -> ()
    %dma_start3A_39 = arith.constant 2 : i32
    %dma_start3A_40 = arith.constant 0 : i32
    %dma_start3A_41 = arith.constant 0 : i32
    %dma_start3A_42 = arith.constant 0 : i32
    %dma_start3A_43 = tpu.memref_slice %arg6[%dma_start3A_40, %dma_start3A_41, %dma_start3A_42] : memref<2x32x1024xf32, #tpu.memory_space<vmem>> -> memref<1x32x1024xf32, #tpu.memory_space<vmem>>
    %dma_start3A_44 = tpu.memref_squeeze %dma_start3A_43 : memref<1x32x1024xf32, #tpu.memory_space<vmem>> -> memref<32x1024xf32, #tpu.memory_space<vmem>>
    %dma_start3A_45 = arith.constant 0 : i32
    %dma_start3A_46 = tpu.memref_slice %arg5[%dma_start3A_39, %dma_start3A_45] : memref<4x32xi32, #tpu.memory_space<vmem>> -> memref<1x32xi32, #tpu.memory_space<vmem>>
    %dma_start3A_47 = tpu.memref_squeeze %dma_start3A_46 : memref<1x32xi32, #tpu.memory_space<vmem>> -> memref<32xi32, #tpu.memory_space<vmem>>
    %dma_start3A_48 = arith.constant 0 : i32
    %dma_start3A_49 = arith.constant 0 : i32
    %dma_start3A_50 = tpu.memref_slice %arg2[%dma_start3A_48, %dma_start3A_49] : memref<100000x1024xf32, #tpu.memory_space<hbm>> -> memref<100000x1024xf32, #tpu.memory_space<hbm>>
    tpu.enqueue_indirect_dma source(%dma_start3A_50 : memref<100000x1024xf32, #tpu.memory_space<hbm>>) target(%dma_start3A_44 : memref<32x1024xf32, #tpu.memory_space<vmem>>) offsets(%dma_start3A_47 : memref<32xi32, #tpu.memory_space<vmem>>) semaphore(%arg7 : memref<!tpu.dma_semaphore, #tpu.memory_space<semaphore_mem>>)
    %dma_wait3A_51 = arith.constant 1 : i32
    %dma_wait3A_52 = arith.constant 1 : i32
    %dma_wait3A_53 = arith.constant 0 : i32
    %dma_wait3A_54 = arith.constant 0 : i32
    %dma_wait3A_55 = tpu.memref_slice %arg6[%dma_wait3A_52, %dma_wait3A_53, %dma_wait3A_54] : memref<2x32x1024xf32, #tpu.memory_space<vmem>> -> memref<1x32x1024xf32, #tpu.memory_space<vmem>>
    %dma_wait3A_56 = tpu.memref_squeeze %dma_wait3A_55 : memref<1x32x1024xf32, #tpu.memory_space<vmem>> -> memref<32x1024xf32, #tpu.memory_space<vmem>>
    %dma_wait3A_57 = arith.constant 0 : i32
    %dma_wait3A_58 = tpu.memref_slice %arg5[%dma_wait3A_51, %dma_wait3A_57] : memref<4x32xi32, #tpu.memory_space<vmem>> -> memref<1x32xi32, #tpu.memory_space<vmem>>
    %dma_wait3A_59 = tpu.memref_squeeze %dma_wait3A_58 : memref<1x32xi32, #tpu.memory_space<vmem>> -> memref<32xi32, #tpu.memory_space<vmem>>
    %dma_wait3A_60 = arith.constant 0 : i32
    %dma_wait3A_61 = arith.constant 0 : i32
    %dma_wait3A_62 = tpu.memref_slice %arg2[%dma_wait3A_60, %dma_wait3A_61] : memref<100000x1024xf32, #tpu.memory_space<hbm>> -> memref<100000x1024xf32, #tpu.memory_space<hbm>>
    tpu.wait_indirect_dma semaphore(%arg8 : memref<!tpu.dma_semaphore, #tpu.memory_space<semaphore_mem>>) src(%dma_wait3A_62 : memref<100000x1024xf32, #tpu.memory_space<hbm>>) dst(%dma_wait3A_56 : memref<32x1024xf32, #tpu.memory_space<vmem>>)
    %add3A_63 = arith.constant 32 : i32
    %add3A_64 = arith.addi %mul3A_2, %add3A_63 : i32
    %run_scoped3A_65 = arith.constant 1 : i32
    "tpu.region"() ({
      %run_scoped3A_108 = tpu.sem_alloc : memref<!tpu.dma_semaphore, #tpu.memory_space<semaphore_mem>>
      %dma_start3A_109 = arith.constant 0 : i32
      %dma_start3A_110 = arith.constant 0 : i32
      %dma_start3A_111 = tpu.memref_slice %arg6[%run_scoped3A_65, %dma_start3A_109, %dma_start3A_110] : memref<2x32x1024xf32, #tpu.memory_space<vmem>> -> memref<1x32x1024xf32, #tpu.memory_space<vmem>>
      %dma_start3A_112 = tpu.memref_squeeze %dma_start3A_111 : memref<1x32x1024xf32, #tpu.memory_space<vmem>> -> memref<32x1024xf32, #tpu.memory_space<vmem>>
      %dma_start3A_113 = arith.constant 0 : i32
      %dma_start3A_114 = tpu.memref_slice %arg4[%add3A_64, %dma_start3A_113] : memref<4096x1024xf32, #tpu.memory_space<hbm>> -> memref<32x1024xf32, #tpu.memory_space<hbm>>
      %dma_start3A_115 = arith.constant 0 : i32
      %dma_start3A_116 = tpu.memref_slice %arg4[%add3A_64, %dma_start3A_115] : memref<4096x1024xf32, #tpu.memory_space<hbm>> -> memref<32x1024xf32, #tpu.memory_space<hbm>>
      %dma_start3A_117 = arith.constant 0 : i32
      %dma_start3A_118 = arith.constant 0 : i32
      %dma_start3A_119 = tpu.memref_slice %arg6[%run_scoped3A_65, %dma_start3A_117, %dma_start3A_118] : memref<2x32x1024xf32, #tpu.memory_space<vmem>> -> memref<1x32x1024xf32, #tpu.memory_space<vmem>>
      %dma_start3A_120 = tpu.memref_squeeze %dma_start3A_119 : memref<1x32x1024xf32, #tpu.memory_space<vmem>> -> memref<32x1024xf32, #tpu.memory_space<vmem>>
      tpu.enqueue_dma source(%dma_start3A_120 : memref<32x1024xf32, #tpu.memory_space<vmem>>) target(%dma_start3A_116 : memref<32x1024xf32, #tpu.memory_space<hbm>>) target_semaphore(%run_scoped3A_108 : memref<!tpu.dma_semaphore, #tpu.memory_space<semaphore_mem>>)
      %dma_wait3A_121 = arith.constant 0 : i32
      %dma_wait3A_122 = arith.constant 0 : i32
      %dma_wait3A_123 = tpu.memref_slice %arg6[%run_scoped3A_65, %dma_wait3A_121, %dma_wait3A_122] : memref<2x32x1024xf32, #tpu.memory_space<vmem>> -> memref<1x32x1024xf32, #tpu.memory_space<vmem>>
      %dma_wait3A_124 = tpu.memref_squeeze %dma_wait3A_123 : memref<1x32x1024xf32, #tpu.memory_space<vmem>> -> memref<32x1024xf32, #tpu.memory_space<vmem>>
      %dma_wait3A_125 = arith.constant 0 : i32
      %dma_wait3A_126 = tpu.memref_slice %arg4[%add3A_64, %dma_wait3A_125] : memref<4096x1024xf32, #tpu.memory_space<hbm>> -> memref<32x1024xf32, #tpu.memory_space<hbm>>
      %dma_wait3A_127 = arith.constant 0 : i32
      %dma_wait3A_128 = tpu.memref_slice %arg4[%add3A_64, %dma_wait3A_127] : memref<4096x1024xf32, #tpu.memory_space<hbm>> -> memref<32x1024xf32, #tpu.memory_space<hbm>>
      %dma_wait3A_129 = arith.constant 0 : i32
      %dma_wait3A_130 = arith.constant 0 : i32
      %dma_wait3A_131 = tpu.memref_slice %arg6[%run_scoped3A_65, %dma_wait3A_129, %dma_wait3A_130] : memref<2x32x1024xf32, #tpu.memory_space<vmem>> -> memref<1x32x1024xf32, #tpu.memory_space<vmem>>
      %dma_wait3A_132 = tpu.memref_squeeze %dma_wait3A_131 : memref<1x32x1024xf32, #tpu.memory_space<vmem>> -> memref<32x1024xf32, #tpu.memory_space<vmem>>
      tpu.wait_dma2 semaphore(%run_scoped3A_108 : memref<!tpu.dma_semaphore, #tpu.memory_space<semaphore_mem>>) src(%dma_wait3A_132 : memref<32x1024xf32, #tpu.memory_space<vmem>>) dst(%dma_wait3A_128 : memref<32x1024xf32, #tpu.memory_space<hbm>>)
      tpu.yield
    }) : () -> ()
    %dma_start3A_66 = arith.constant 3 : i32
    %dma_start3A_67 = arith.constant 1 : i32
    %dma_start3A_68 = arith.constant 0 : i32
    %dma_start3A_69 = arith.constant 0 : i32
    %dma_start3A_70 = tpu.memref_slice %arg6[%dma_start3A_67, %dma_start3A_68, %dma_start3A_69] : memref<2x32x1024xf32, #tpu.memory_space<vmem>> -> memref<1x32x1024xf32, #tpu.memory_space<vmem>>
    %dma_start3A_71 = tpu.memref_squeeze %dma_start3A_70 : memref<1x32x1024xf32, #tpu.memory_space<vmem>> -> memref<32x1024xf32, #tpu.memory_space<vmem>>
    %dma_start3A_72 = arith.constant 0 : i32
    %dma_start3A_73 = tpu.memref_slice %arg5[%dma_start3A_66, %dma_start3A_72] : memref<4x32xi32, #tpu.memory_space<vmem>> -> memref<1x32xi32, #tpu.memory_space<vmem>>
    %dma_start3A_74 = tpu.memref_squeeze %dma_start3A_73 : memref<1x32xi32, #tpu.memory_space<vmem>> -> memref<32xi32, #tpu.memory_space<vmem>>
    %dma_start3A_75 = arith.constant 0 : i32
    %dma_start3A_76 = arith.constant 0 : i32
    %dma_start3A_77 = tpu.memref_slice %arg2[%dma_start3A_75, %dma_start3A_76] : memref<100000x1024xf32, #tpu.memory_space<hbm>> -> memref<100000x1024xf32, #tpu.memory_space<hbm>>
    tpu.enqueue_indirect_dma source(%dma_start3A_77 : memref<100000x1024xf32, #tpu.memory_space<hbm>>) target(%dma_start3A_71 : memref<32x1024xf32, #tpu.memory_space<vmem>>) offsets(%dma_start3A_74 : memref<32xi32, #tpu.memory_space<vmem>>) semaphore(%arg8 : memref<!tpu.dma_semaphore, #tpu.memory_space<semaphore_mem>>)
    %dma_wait3A_78 = arith.constant 2 : i32
    %dma_wait3A_79 = arith.constant 0 : i32
    %dma_wait3A_80 = arith.constant 0 : i32
    %dma_wait3A_81 = arith.constant 0 : i32
    %dma_wait3A_82 = tpu.memref_slice %arg6[%dma_wait3A_79, %dma_wait3A_80, %dma_wait3A_81] : memref<2x32x1024xf32, #tpu.memory_space<vmem>> -> memref<1x32x1024xf32, #tpu.memory_space<vmem>>
    %dma_wait3A_83 = tpu.memref_squeeze %dma_wait3A_82 : memref<1x32x1024xf32, #tpu.memory_space<vmem>> -> memref<32x1024xf32, #tpu.memory_space<vmem>>
    %dma_wait3A_84 = arith.constant 0 : i32
    %dma_wait3A_85 = tpu.memref_slice %arg5[%dma_wait3A_78, %dma_wait3A_84] : memref<4x32xi32, #tpu.memory_space<vmem>> -> memref<1x32xi32, #tpu.memory_space<vmem>>
    %dma_wait3A_86 = tpu.memref_squeeze %dma_wait3A_85 : memref<1x32xi32, #tpu.memory_space<vmem>> -> memref<32xi32, #tpu.memory_space<vmem>>
    %dma_wait3A_87 = arith.constant 0 : i32
    %dma_wait3A_88 = arith.constant 0 : i32
    %dma_wait3A_89 = tpu.memref_slice %arg2[%dma_wait3A_87, %dma_wait3A_88] : memref<100000x1024xf32, #tpu.memory_space<hbm>> -> memref<100000x1024xf32, #tpu.memory_space<hbm>>
    tpu.wait_indirect_dma semaphore(%arg7 : memref<!tpu.dma_semaphore, #tpu.memory_space<semaphore_mem>>) src(%dma_wait3A_89 : memref<100000x1024xf32, #tpu.memory_space<hbm>>) dst(%dma_wait3A_83 : memref<32x1024xf32, #tpu.memory_space<vmem>>)
    %add3A_90 = arith.constant 64 : i32
    %add3A_91 = arith.addi %mul3A_2, %add3A_90 : i32
    %run_scoped3A_92 = arith.constant 0 : i32
    "tpu.region"() ({
      %run_scoped3A_108 = tpu.sem_alloc : memref<!tpu.dma_semaphore, #tpu.memory_space<semaphore_mem>>
      %dma_start3A_109 = arith.constant 0 : i32
      %dma_start3A_110 = arith.constant 0 : i32
      %dma_start3A_111 = tpu.memref_slice %arg6[%run_scoped3A_92, %dma_start3A_109, %dma_start3A_110] : memref<2x32x1024xf32, #tpu.memory_space<vmem>> -> memref<1x32x1024xf32, #tpu.memory_space<vmem>>
      %dma_start3A_112 = tpu.memref_squeeze %dma_start3A_111 : memref<1x32x1024xf32, #tpu.memory_space<vmem>> -> memref<32x1024xf32, #tpu.memory_space<vmem>>
      %dma_start3A_113 = arith.constant 0 : i32
      %dma_start3A_114 = tpu.memref_slice %arg4[%add3A_91, %dma_start3A_113] : memref<4096x1024xf32, #tpu.memory_space<hbm>> -> memref<32x1024xf32, #tpu.memory_space<hbm>>
      %dma_start3A_115 = arith.constant 0 : i32
      %dma_start3A_116 = tpu.memref_slice %arg4[%add3A_91, %dma_start3A_115] : memref<4096x1024xf32, #tpu.memory_space<hbm>> -> memref<32x1024xf32, #tpu.memory_space<hbm>>
      %dma_start3A_117 = arith.constant 0 : i32
      %dma_start3A_118 = arith.constant 0 : i32
      %dma_start3A_119 = tpu.memref_slice %arg6[%run_scoped3A_92, %dma_start3A_117, %dma_start3A_118] : memref<2x32x1024xf32, #tpu.memory_space<vmem>> -> memref<1x32x1024xf32, #tpu.memory_space<vmem>>
      %dma_start3A_120 = tpu.memref_squeeze %dma_start3A_119 : memref<1x32x1024xf32, #tpu.memory_space<vmem>> -> memref<32x1024xf32, #tpu.memory_space<vmem>>
      tpu.enqueue_dma source(%dma_start3A_120 : memref<32x1024xf32, #tpu.memory_space<vmem>>) target(%dma_start3A_116 : memref<32x1024xf32, #tpu.memory_space<hbm>>) target_semaphore(%run_scoped3A_108 : memref<!tpu.dma_semaphore, #tpu.memory_space<semaphore_mem>>)
      %dma_wait3A_121 = arith.constant 0 : i32
      %dma_wait3A_122 = arith.constant 0 : i32
      %dma_wait3A_123 = tpu.memref_slice %arg6[%run_scoped3A_92, %dma_wait3A_121, %dma_wait3A_122] : memref<2x32x1024xf32, #tpu.memory_space<vmem>> -> memref<1x32x1024xf32, #tpu.memory_space<vmem>>
      %dma_wait3A_124 = tpu.memref_squeeze %dma_wait3A_123 : memref<1x32x1024xf32, #tpu.memory_space<vmem>> -> memref<32x1024xf32, #tpu.memory_space<vmem>>
      %dma_wait3A_125 = arith.constant 0 : i32
      %dma_wait3A_126 = tpu.memref_slice %arg4[%add3A_91, %dma_wait3A_125] : memref<4096x1024xf32, #tpu.memory_space<hbm>> -> memref<32x1024xf32, #tpu.memory_space<hbm>>
      %dma_wait3A_127 = arith.constant 0 : i32
      %dma_wait3A_128 = tpu.memref_slice %arg4[%add3A_91, %dma_wait3A_127] : memref<4096x1024xf32, #tpu.memory_space<hbm>> -> memref<32x1024xf32, #tpu.memory_space<hbm>>
      %dma_wait3A_129 = arith.constant 0 : i32
      %dma_wait3A_130 = arith.constant 0 : i32
      %dma_wait3A_131 = tpu.memref_slice %arg6[%run_scoped3A_92, %dma_wait3A_129, %dma_wait3A_130] : memref<2x32x1024xf32, #tpu.memory_space<vmem>> -> memref<1x32x1024xf32, #tpu.memory_space<vmem>>
      %dma_wait3A_132 = tpu.memref_squeeze %dma_wait3A_131 : memref<1x32x1024xf32, #tpu.memory_space<vmem>> -> memref<32x1024xf32, #tpu.memory_space<vmem>>
      tpu.wait_dma2 semaphore(%run_scoped3A_108 : memref<!tpu.dma_semaphore, #tpu.memory_space<semaphore_mem>>) src(%dma_wait3A_132 : memref<32x1024xf32, #tpu.memory_space<vmem>>) dst(%dma_wait3A_128 : memref<32x1024xf32, #tpu.memory_space<hbm>>)
      tpu.yield
    }) : () -> ()
    %dma_wait3A_93 = arith.constant 3 : i32
    %dma_wait3A_94 = arith.constant 1 : i32
    %dma_wait3A_95 = arith.constant 0 : i32
    %dma_wait3A_96 = arith.constant 0 : i32
    %dma_wait3A_97 = tpu.memref_slice %arg6[%dma_wait3A_94, %dma_wait3A_95, %dma_wait3A_96] : memref<2x32x1024xf32, #tpu.memory_space<vmem>> -> memref<1x32x1024xf32, #tpu.memory_space<vmem>>
    %dma_wait3A_98 = tpu.memref_squeeze %dma_wait3A_97 : memref<1x32x1024xf32, #tpu.memory_space<vmem>> -> memref<32x1024xf32, #tpu.memory_space<vmem>>
    %dma_wait3A_99 = arith.constant 0 : i32
    %dma_wait3A_100 = tpu.memref_slice %arg5[%dma_wait3A_93, %dma_wait3A_99] : memref<4x32xi32, #tpu.memory_space<vmem>> -> memref<1x32xi32, #tpu.memory_space<vmem>>
    %dma_wait3A_101 = tpu.memref_squeeze %dma_wait3A_100 : memref<1x32xi32, #tpu.memory_space<vmem>> -> memref<32xi32, #tpu.memory_space<vmem>>
    %dma_wait3A_102 = arith.constant 0 : i32
    %dma_wait3A_103 = arith.constant 0 : i32
    %dma_wait3A_104 = tpu.memref_slice %arg2[%dma_wait3A_102, %dma_wait3A_103] : memref<100000x1024xf32, #tpu.memory_space<hbm>> -> memref<100000x1024xf32, #tpu.memory_space<hbm>>
    tpu.wait_indirect_dma semaphore(%arg8 : memref<!tpu.dma_semaphore, #tpu.memory_space<semaphore_mem>>) src(%dma_wait3A_104 : memref<100000x1024xf32, #tpu.memory_space<hbm>>) dst(%dma_wait3A_98 : memref<32x1024xf32, #tpu.memory_space<vmem>>)
    %add3A_105 = arith.constant 96 : i32
    %add3A_106 = arith.addi %mul3A_2, %add3A_105 : i32
    %run_scoped3A_107 = arith.constant 1 : i32
    "tpu.region"() ({
      %run_scoped3A_108 = tpu.sem_alloc : memref<!tpu.dma_semaphore, #tpu.memory_space<semaphore_mem>>
      %dma_start3A_109 = arith.constant 0 : i32
      %dma_start3A_110 = arith.constant 0 : i32
      %dma_start3A_111 = tpu.memref_slice %arg6[%run_scoped3A_107, %dma_start3A_109, %dma_start3A_110] : memref<2x32x1024xf32, #tpu.memory_space<vmem>> -> memref<1x32x1024xf32, #tpu.memory_space<vmem>>
      %dma_start3A_112 = tpu.memref_squeeze %dma_start3A_111 : memref<1x32x1024xf32, #tpu.memory_space<vmem>> -> memref<32x1024xf32, #tpu.memory_space<vmem>>
      %dma_start3A_113 = arith.constant 0 : i32
      %dma_start3A_114 = tpu.memref_slice %arg4[%add3A_106, %dma_start3A_113] : memref<4096x1024xf32, #tpu.memory_space<hbm>> -> memref<32x1024xf32, #tpu.memory_space<hbm>>
      %dma_start3A_115 = arith.constant 0 : i32
      %dma_start3A_116 = tpu.memref_slice %arg4[%add3A_106, %dma_start3A_115] : memref<4096x1024xf32, #tpu.memory_space<hbm>> -> memref<32x1024xf32, #tpu.memory_space<hbm>>
      %dma_start3A_117 = arith.constant 0 : i32
      %dma_start3A_118 = arith.constant 0 : i32
      %dma_start3A_119 = tpu.memref_slice %arg6[%run_scoped3A_107, %dma_start3A_117, %dma_start3A_118] : memref<2x32x1024xf32, #tpu.memory_space<vmem>> -> memref<1x32x1024xf32, #tpu.memory_space<vmem>>
      %dma_start3A_120 = tpu.memref_squeeze %dma_start3A_119 : memref<1x32x1024xf32, #tpu.memory_space<vmem>> -> memref<32x1024xf32, #tpu.memory_space<vmem>>
      tpu.enqueue_dma source(%dma_start3A_120 : memref<32x1024xf32, #tpu.memory_space<vmem>>) target(%dma_start3A_116 : memref<32x1024xf32, #tpu.memory_space<hbm>>) target_semaphore(%run_scoped3A_108 : memref<!tpu.dma_semaphore, #tpu.memory_space<semaphore_mem>>)
      %dma_wait3A_121 = arith.constant 0 : i32
      %dma_wait3A_122 = arith.constant 0 : i32
      %dma_wait3A_123 = tpu.memref_slice %arg6[%run_scoped3A_107, %dma_wait3A_121, %dma_wait3A_122] : memref<2x32x1024xf32, #tpu.memory_space<vmem>> -> memref<1x32x1024xf32, #tpu.memory_space<vmem>>
      %dma_wait3A_124 = tpu.memref_squeeze %dma_wait3A_123 : memref<1x32x1024xf32, #tpu.memory_space<vmem>> -> memref<32x1024xf32, #tpu.memory_space<vmem>>
      %dma_wait3A_125 = arith.constant 0 : i32
      %dma_wait3A_126 = tpu.memref_slice %arg4[%add3A_106, %dma_wait3A_125] : memref<4096x1024xf32, #tpu.memory_space<hbm>> -> memref<32x1024xf32, #tpu.memory_space<hbm>>
      %dma_wait3A_127 = arith.constant 0 : i32
      %dma_wait3A_128 = tpu.memref_slice %arg4[%add3A_106, %dma_wait3A_127] : memref<4096x1024xf32, #tpu.memory_space<hbm>> -> memref<32x1024xf32, #tpu.memory_space<hbm>>
      %dma_wait3A_129 = arith.constant 0 : i32
      %dma_wait3A_130 = arith.constant 0 : i32
      %dma_wait3A_131 = tpu.memref_slice %arg6[%run_scoped3A_107, %dma_wait3A_129, %dma_wait3A_130] : memref<2x32x1024xf32, #tpu.memory_space<vmem>> -> memref<1x32x1024xf32, #tpu.memory_space<vmem>>
      %dma_wait3A_132 = tpu.memref_squeeze %dma_wait3A_131 : memref<1x32x1024xf32, #tpu.memory_space<vmem>> -> memref<32x1024xf32, #tpu.memory_space<vmem>>
      tpu.wait_dma2 semaphore(%run_scoped3A_108 : memref<!tpu.dma_semaphore, #tpu.memory_space<semaphore_mem>>) src(%dma_wait3A_132 : memref<32x1024xf32, #tpu.memory_space<vmem>>) dst(%dma_wait3A_128 : memref<32x1024xf32, #tpu.memory_space<hbm>>)
      tpu.yield
    }) : () -> ()
    return
  }
}

module attributes {stable_mosaic.version = 14 : i64} {
  func.func @_interp_mlp_body(%arg0: i32, %arg1: memref<32x256xf32, #tpu.memory_space<vmem>>, %arg2: memref<32x256xf32, #tpu.memory_space<vmem>>, %arg3: memref<512x64xf32, #tpu.memory_space<vmem>>, %arg4: memref<256x256xf32, #tpu.memory_space<vmem>>, %arg5: memref<16x1xf32, #tpu.memory_space<vmem>>, %arg6: memref<64x1xf32, #tpu.memory_space<vmem>>, %arg7: memref<4x64xf32, #tpu.memory_space<vmem>>, %arg8: memref<64x4xf32, #tpu.memory_space<vmem>>, %arg9: memref<64x1xf32, #tpu.memory_space<vmem>>, %arg10: memref<64x64xf32, #tpu.memory_space<vmem>>, %arg11: memref<64x1xf32, #tpu.memory_space<vmem>>, %arg12: memref<4x64xf32, #tpu.memory_space<vmem>>, %arg13: memref<4x1xf32, #tpu.memory_space<vmem>>, %arg14: memref<4096x4xf32, #tpu.memory_space<vmem>>) attributes {dimension_semantics = [#tpu.dimension_semantics<arbitrary>], iteration_bounds = array<i64: 128>, scalar_prefetch = 0 : i64, scratch_operands = 0 : i64, tpu.core_type = #tpu.core_type<tc>, window_params = [{transform_indices = @transform_0, window_bounds = array<i64: 32, 256>}, {transform_indices = @transform_1, window_bounds = array<i64: 32, 256>}, {transform_indices = @transform_2, window_bounds = array<i64: 512, 64>}, {pipeline_mode = #tpu.pipeline_mode<synchronous>, transform_indices = @transform_3, window_bounds = array<i64: 256, 256>}, {pipeline_mode = #tpu.pipeline_mode<synchronous>, transform_indices = @transform_4, window_bounds = array<i64: 16, 1>}, {pipeline_mode = #tpu.pipeline_mode<synchronous>, transform_indices = @transform_5, window_bounds = array<i64: 64, 1>}, {pipeline_mode = #tpu.pipeline_mode<synchronous>, transform_indices = @transform_6, window_bounds = array<i64: 4, 64>}, {pipeline_mode = #tpu.pipeline_mode<synchronous>, transform_indices = @transform_7, window_bounds = array<i64: 64, 4>}, {pipeline_mode = #tpu.pipeline_mode<synchronous>, transform_indices = @transform_8, window_bounds = array<i64: 64, 1>}, {pipeline_mode = #tpu.pipeline_mode<synchronous>, transform_indices = @transform_9, window_bounds = array<i64: 64, 64>}, {pipeline_mode = #tpu.pipeline_mode<synchronous>, transform_indices = @transform_10, window_bounds = array<i64: 64, 1>}, {pipeline_mode = #tpu.pipeline_mode<synchronous>, transform_indices = @transform_11, window_bounds = array<i64: 4, 64>}, {pipeline_mode = #tpu.pipeline_mode<synchronous>, transform_indices = @transform_12, window_bounds = array<i64: 4, 1>}, {transform_indices = @transform_13, window_bounds = array<i64: 4096, 4>}]} {
    %get3A = arith.constant 0 : index
    %get3A_0 = arith.constant 0 : index
    %get3A_1 = vector.load %arg3[%get3A, %get3A_0] : memref<512x64xf32, #tpu.memory_space<vmem>>, vector<512x64xf32>
    %get3A_2 = arith.constant 0 : index
    %get3A_3 = arith.constant 0 : index
    %get3A_4 = vector.load %arg5[%get3A_2, %get3A_3] : memref<16x1xf32, #tpu.memory_space<vmem>>, vector<16x1xf32>
    %get3A_5 = arith.constant 0 : index
    %get3A_6 = arith.constant 0 : index
    %get3A_7 = vector.load %arg6[%get3A_5, %get3A_6] : memref<64x1xf32, #tpu.memory_space<vmem>>, vector<64x1xf32>
    %get3A_8 = arith.constant 0 : index
    %get3A_9 = arith.constant 0 : index
    %get3A_10 = vector.load %arg7[%get3A_8, %get3A_9] : memref<4x64xf32, #tpu.memory_space<vmem>>, vector<4x64xf32>
    %get3A_11 = arith.constant 0 : index
    %get3A_12 = arith.constant 0 : index
    %get3A_13 = vector.load %arg4[%get3A_11, %get3A_12] : memref<256x256xf32, #tpu.memory_space<vmem>>, vector<256x256xf32>
    %get3A_14 = arith.constant 0 : index
    %get3A_15 = arith.constant 0 : index
    %get3A_16 = vector.load %arg1[%get3A_14, %get3A_15] : memref<32x256xf32, #tpu.memory_space<vmem>>, vector<32x256xf32>
    %dot_general3A = arith.constant dense<0.000000e+00> : vector<32x256xf32>
    %dot_general3A_17 = tpu.matmul %get3A_16, %get3A_13, %dot_general3A {dimension_numbers = #tpu.dot_dimension_numbers<[1], [0], [0], [1], [0, 0, 1, 1], [], []>, transpose_lhs_hint = false} : vector<32x256xf32>, vector<256x256xf32>, vector<32x256xf32> -> vector<32x256xf32>
    %get3A_18 = arith.constant 0 : index
    %get3A_19 = arith.constant 0 : index
    %get3A_20 = vector.load %arg2[%get3A_18, %get3A_19] : memref<32x256xf32, #tpu.memory_space<vmem>>, vector<32x256xf32>
    %dot_general3A_21 = arith.constant dense<0.000000e+00> : vector<32x256xf32>
    %dot_general3A_22 = tpu.matmul %get3A_20, %get3A_13, %dot_general3A_21 {dimension_numbers = #tpu.dot_dimension_numbers<[1], [0], [0], [1], [0, 0, 1, 1], [], []>, transpose_lhs_hint = false} : vector<32x256xf32>, vector<256x256xf32>, vector<32x256xf32> -> vector<32x256xf32>
    %add3A = arith.constant 7.500000e+00 : f32
    %add3A_23 = vector.broadcast %add3A : f32 to vector<32x256xf32>
    %add3A_24 = arith.addf %dot_general3A_22, %add3A_23 : vector<32x256xf32>
    %add3A_25 = arith.addf %dot_general3A_17, %add3A_24 : vector<32x256xf32>
    %slice3A = vector.extract_strided_slice %add3A_25 {offsets = [0, 0], sizes = [1, 128], strides = [1, 1]} : vector<32x256xf32> to vector<1x128xf32>
    %squeeze3A = vector.shape_cast %slice3A : vector<1x128xf32> to vector<128xf32>
    %slice3A_26 = vector.extract_strided_slice %add3A_25 {offsets = [0, 128], sizes = [1, 128], strides = [1, 1]} : vector<32x256xf32> to vector<1x128xf32>
    %squeeze3A_27 = vector.shape_cast %slice3A_26 : vector<1x128xf32> to vector<128xf32>
    %broadcast_in_dim3A = vector.shape_cast %squeeze3A_27 : vector<128xf32> to vector<1x128xf32>
    %sub3A = vector.broadcast %broadcast_in_dim3A : vector<1x128xf32> to vector<16x128xf32>
    %sub3A_28 = vector.broadcast %get3A_4 : vector<16x1xf32> to vector<16x128xf32>
    %sub3A_29 = arith.subf %sub3A, %sub3A_28 : vector<16x128xf32>
    %abs3A = math.absf %sub3A_29 : vector<16x128xf32>
    %sub3A_30 = arith.constant 1.000000e+00 : f32
    %sub3A_31 = vector.broadcast %sub3A_30 : f32 to vector<16x128xf32>
    %sub3A_32 = arith.subf %sub3A_31, %abs3A : vector<16x128xf32>
    %max3A = arith.constant 0.000000e+00 : f32
    %max3A_33 = vector.broadcast %max3A : f32 to vector<16x128xf32>
    %max3A_34 = arith.maximumf %max3A_33, %sub3A_32 : vector<16x128xf32>
    %broadcast_in_dim3A_35 = vector.shape_cast %squeeze3A : vector<128xf32> to vector<1x128xf32>
    %sub3A_36 = vector.broadcast %broadcast_in_dim3A_35 : vector<1x128xf32> to vector<64x128xf32>
    %sub3A_37 = vector.broadcast %get3A_7 : vector<64x1xf32> to vector<64x128xf32>
    %sub3A_38 = arith.subf %sub3A_36, %sub3A_37 : vector<64x128xf32>
    %abs3A_39 = math.absf %sub3A_38 : vector<64x128xf32>
    %sub3A_40 = arith.constant 1.000000e+00 : f32
    %sub3A_41 = vector.broadcast %sub3A_40 : f32 to vector<64x128xf32>
    %sub3A_42 = arith.subf %sub3A_41, %abs3A_39 : vector<64x128xf32>
    %max3A_43 = arith.constant 0.000000e+00 : f32
    %max3A_44 = vector.broadcast %max3A_43 : f32 to vector<64x128xf32>
    %max3A_45 = arith.maximumf %max3A_44, %sub3A_42 : vector<64x128xf32>
    %slice3A_46 = vector.extract_strided_slice %get3A_1 {offsets = [0, 0], sizes = [16, 64], strides = [1, 1]} : vector<512x64xf32> to vector<16x64xf32>
    %dot_general3A_47 = arith.constant dense<0.000000e+00> : vector<64x128xf32>
    %dot_general3A_48 = tpu.matmul %slice3A_46, %max3A_34, %dot_general3A_47 {dimension_numbers = #tpu.dot_dimension_numbers<[0], [0], [1], [1], [0, 1, 1, 1], [], []>, transpose_lhs_hint = false} : vector<16x64xf32>, vector<16x128xf32>, vector<64x128xf32> -> vector<64x128xf32>
    %mul3A = arith.mulf %dot_general3A_48, %max3A_45 : vector<64x128xf32>
    %dot_general3A_49 = arith.constant dense<0.000000e+00> : vector<4x128xf32>
    %dot_general3A_50 = tpu.matmul %get3A_10, %mul3A, %dot_general3A_49 {dimension_numbers = #tpu.dot_dimension_numbers<[1], [0], [0], [1], [0, 0, 1, 1], [], []>, transpose_lhs_hint = false} : vector<4x64xf32>, vector<64x128xf32>, vector<4x128xf32> -> vector<4x128xf32>
    %slice3A_51 = vector.extract_strided_slice %add3A_25 {offsets = [1, 0], sizes = [1, 128], strides = [1, 1]} : vector<32x256xf32> to vector<1x128xf32>
    %squeeze3A_52 = vector.shape_cast %slice3A_51 : vector<1x128xf32> to vector<128xf32>
    %slice3A_53 = vector.extract_strided_slice %add3A_25 {offsets = [1, 128], sizes = [1, 128], strides = [1, 1]} : vector<32x256xf32> to vector<1x128xf32>
    %squeeze3A_54 = vector.shape_cast %slice3A_53 : vector<1x128xf32> to vector<128xf32>
    %broadcast_in_dim3A_55 = vector.shape_cast %squeeze3A_54 : vector<128xf32> to vector<1x128xf32>
    %sub3A_56 = vector.broadcast %broadcast_in_dim3A_55 : vector<1x128xf32> to vector<16x128xf32>
    %sub3A_57 = vector.broadcast %get3A_4 : vector<16x1xf32> to vector<16x128xf32>
    %sub3A_58 = arith.subf %sub3A_56, %sub3A_57 : vector<16x128xf32>
    %abs3A_59 = math.absf %sub3A_58 : vector<16x128xf32>
    %sub3A_60 = arith.constant 1.000000e+00 : f32
    %sub3A_61 = vector.broadcast %sub3A_60 : f32 to vector<16x128xf32>
    %sub3A_62 = arith.subf %sub3A_61, %abs3A_59 : vector<16x128xf32>
    %max3A_63 = arith.constant 0.000000e+00 : f32
    %max3A_64 = vector.broadcast %max3A_63 : f32 to vector<16x128xf32>
    %max3A_65 = arith.maximumf %max3A_64, %sub3A_62 : vector<16x128xf32>
    %broadcast_in_dim3A_66 = vector.shape_cast %squeeze3A_52 : vector<128xf32> to vector<1x128xf32>
    %sub3A_67 = vector.broadcast %broadcast_in_dim3A_66 : vector<1x128xf32> to vector<64x128xf32>
    %sub3A_68 = vector.broadcast %get3A_7 : vector<64x1xf32> to vector<64x128xf32>
    %sub3A_69 = arith.subf %sub3A_67, %sub3A_68 : vector<64x128xf32>
    %abs3A_70 = math.absf %sub3A_69 : vector<64x128xf32>
    %sub3A_71 = arith.constant 1.000000e+00 : f32
    %sub3A_72 = vector.broadcast %sub3A_71 : f32 to vector<64x128xf32>
    %sub3A_73 = arith.subf %sub3A_72, %abs3A_70 : vector<64x128xf32>
    %max3A_74 = arith.constant 0.000000e+00 : f32
    %max3A_75 = vector.broadcast %max3A_74 : f32 to vector<64x128xf32>
    %max3A_76 = arith.maximumf %max3A_75, %sub3A_73 : vector<64x128xf32>
    %slice3A_77 = vector.extract_strided_slice %get3A_1 {offsets = [16, 0], sizes = [16, 64], strides = [1, 1]} : vector<512x64xf32> to vector<16x64xf32>
    %dot_general3A_78 = arith.constant dense<0.000000e+00> : vector<64x128xf32>
    %dot_general3A_79 = tpu.matmul %slice3A_77, %max3A_65, %dot_general3A_78 {dimension_numbers = #tpu.dot_dimension_numbers<[0], [0], [1], [1], [0, 1, 1, 1], [], []>, transpose_lhs_hint = false} : vector<16x64xf32>, vector<16x128xf32>, vector<64x128xf32> -> vector<64x128xf32>
    %mul3A_80 = arith.mulf %dot_general3A_79, %max3A_76 : vector<64x128xf32>
    %dot_general3A_81 = arith.constant dense<0.000000e+00> : vector<4x128xf32>
    %dot_general3A_82 = tpu.matmul %get3A_10, %mul3A_80, %dot_general3A_81 {dimension_numbers = #tpu.dot_dimension_numbers<[1], [0], [0], [1], [0, 0, 1, 1], [], []>, transpose_lhs_hint = false} : vector<4x64xf32>, vector<64x128xf32>, vector<4x128xf32> -> vector<4x128xf32>
    %slice3A_83 = vector.extract_strided_slice %add3A_25 {offsets = [2, 0], sizes = [1, 128], strides = [1, 1]} : vector<32x256xf32> to vector<1x128xf32>
    %squeeze3A_84 = vector.shape_cast %slice3A_83 : vector<1x128xf32> to vector<128xf32>
    %slice3A_85 = vector.extract_strided_slice %add3A_25 {offsets = [2, 128], sizes = [1, 128], strides = [1, 1]} : vector<32x256xf32> to vector<1x128xf32>
    %squeeze3A_86 = vector.shape_cast %slice3A_85 : vector<1x128xf32> to vector<128xf32>
    %broadcast_in_dim3A_87 = vector.shape_cast %squeeze3A_86 : vector<128xf32> to vector<1x128xf32>
    %sub3A_88 = vector.broadcast %broadcast_in_dim3A_87 : vector<1x128xf32> to vector<16x128xf32>
    %sub3A_89 = vector.broadcast %get3A_4 : vector<16x1xf32> to vector<16x128xf32>
    %sub3A_90 = arith.subf %sub3A_88, %sub3A_89 : vector<16x128xf32>
    %abs3A_91 = math.absf %sub3A_90 : vector<16x128xf32>
    %sub3A_92 = arith.constant 1.000000e+00 : f32
    %sub3A_93 = vector.broadcast %sub3A_92 : f32 to vector<16x128xf32>
    %sub3A_94 = arith.subf %sub3A_93, %abs3A_91 : vector<16x128xf32>
    %max3A_95 = arith.constant 0.000000e+00 : f32
    %max3A_96 = vector.broadcast %max3A_95 : f32 to vector<16x128xf32>
    %max3A_97 = arith.maximumf %max3A_96, %sub3A_94 : vector<16x128xf32>
    %broadcast_in_dim3A_98 = vector.shape_cast %squeeze3A_84 : vector<128xf32> to vector<1x128xf32>
    %sub3A_99 = vector.broadcast %broadcast_in_dim3A_98 : vector<1x128xf32> to vector<64x128xf32>
    %sub3A_100 = vector.broadcast %get3A_7 : vector<64x1xf32> to vector<64x128xf32>
    %sub3A_101 = arith.subf %sub3A_99, %sub3A_100 : vector<64x128xf32>
    %abs3A_102 = math.absf %sub3A_101 : vector<64x128xf32>
    %sub3A_103 = arith.constant 1.000000e+00 : f32
    %sub3A_104 = vector.broadcast %sub3A_103 : f32 to vector<64x128xf32>
    %sub3A_105 = arith.subf %sub3A_104, %abs3A_102 : vector<64x128xf32>
    %max3A_106 = arith.constant 0.000000e+00 : f32
    %max3A_107 = vector.broadcast %max3A_106 : f32 to vector<64x128xf32>
    %max3A_108 = arith.maximumf %max3A_107, %sub3A_105 : vector<64x128xf32>
    %slice3A_109 = vector.extract_strided_slice %get3A_1 {offsets = [32, 0], sizes = [16, 64], strides = [1, 1]} : vector<512x64xf32> to vector<16x64xf32>
    %dot_general3A_110 = arith.constant dense<0.000000e+00> : vector<64x128xf32>
    %dot_general3A_111 = tpu.matmul %slice3A_109, %max3A_97, %dot_general3A_110 {dimension_numbers = #tpu.dot_dimension_numbers<[0], [0], [1], [1], [0, 1, 1, 1], [], []>, transpose_lhs_hint = false} : vector<16x64xf32>, vector<16x128xf32>, vector<64x128xf32> -> vector<64x128xf32>
    %mul3A_112 = arith.mulf %dot_general3A_111, %max3A_108 : vector<64x128xf32>
    %dot_general3A_113 = arith.constant dense<0.000000e+00> : vector<4x128xf32>
    %dot_general3A_114 = tpu.matmul %get3A_10, %mul3A_112, %dot_general3A_113 {dimension_numbers = #tpu.dot_dimension_numbers<[1], [0], [0], [1], [0, 0, 1, 1], [], []>, transpose_lhs_hint = false} : vector<4x64xf32>, vector<64x128xf32>, vector<4x128xf32> -> vector<4x128xf32>
    %slice3A_115 = vector.extract_strided_slice %add3A_25 {offsets = [3, 0], sizes = [1, 128], strides = [1, 1]} : vector<32x256xf32> to vector<1x128xf32>
    %squeeze3A_116 = vector.shape_cast %slice3A_115 : vector<1x128xf32> to vector<128xf32>
    %slice3A_117 = vector.extract_strided_slice %add3A_25 {offsets = [3, 128], sizes = [1, 128], strides = [1, 1]} : vector<32x256xf32> to vector<1x128xf32>
    %squeeze3A_118 = vector.shape_cast %slice3A_117 : vector<1x128xf32> to vector<128xf32>
    %broadcast_in_dim3A_119 = vector.shape_cast %squeeze3A_118 : vector<128xf32> to vector<1x128xf32>
    %sub3A_120 = vector.broadcast %broadcast_in_dim3A_119 : vector<1x128xf32> to vector<16x128xf32>
    %sub3A_121 = vector.broadcast %get3A_4 : vector<16x1xf32> to vector<16x128xf32>
    %sub3A_122 = arith.subf %sub3A_120, %sub3A_121 : vector<16x128xf32>
    %abs3A_123 = math.absf %sub3A_122 : vector<16x128xf32>
    %sub3A_124 = arith.constant 1.000000e+00 : f32
    %sub3A_125 = vector.broadcast %sub3A_124 : f32 to vector<16x128xf32>
    %sub3A_126 = arith.subf %sub3A_125, %abs3A_123 : vector<16x128xf32>
    %max3A_127 = arith.constant 0.000000e+00 : f32
    %max3A_128 = vector.broadcast %max3A_127 : f32 to vector<16x128xf32>
    %max3A_129 = arith.maximumf %max3A_128, %sub3A_126 : vector<16x128xf32>
    %broadcast_in_dim3A_130 = vector.shape_cast %squeeze3A_116 : vector<128xf32> to vector<1x128xf32>
    %sub3A_131 = vector.broadcast %broadcast_in_dim3A_130 : vector<1x128xf32> to vector<64x128xf32>
    %sub3A_132 = vector.broadcast %get3A_7 : vector<64x1xf32> to vector<64x128xf32>
    %sub3A_133 = arith.subf %sub3A_131, %sub3A_132 : vector<64x128xf32>
    %abs3A_134 = math.absf %sub3A_133 : vector<64x128xf32>
    %sub3A_135 = arith.constant 1.000000e+00 : f32
    %sub3A_136 = vector.broadcast %sub3A_135 : f32 to vector<64x128xf32>
    %sub3A_137 = arith.subf %sub3A_136, %abs3A_134 : vector<64x128xf32>
    %max3A_138 = arith.constant 0.000000e+00 : f32
    %max3A_139 = vector.broadcast %max3A_138 : f32 to vector<64x128xf32>
    %max3A_140 = arith.maximumf %max3A_139, %sub3A_137 : vector<64x128xf32>
    %slice3A_141 = vector.extract_strided_slice %get3A_1 {offsets = [48, 0], sizes = [16, 64], strides = [1, 1]} : vector<512x64xf32> to vector<16x64xf32>
    %dot_general3A_142 = arith.constant dense<0.000000e+00> : vector<64x128xf32>
    %dot_general3A_143 = tpu.matmul %slice3A_141, %max3A_129, %dot_general3A_142 {dimension_numbers = #tpu.dot_dimension_numbers<[0], [0], [1], [1], [0, 1, 1, 1], [], []>, transpose_lhs_hint = false} : vector<16x64xf32>, vector<16x128xf32>, vector<64x128xf32> -> vector<64x128xf32>
    %mul3A_144 = arith.mulf %dot_general3A_143, %max3A_140 : vector<64x128xf32>
    %dot_general3A_145 = arith.constant dense<0.000000e+00> : vector<4x128xf32>
    %dot_general3A_146 = tpu.matmul %get3A_10, %mul3A_144, %dot_general3A_145 {dimension_numbers = #tpu.dot_dimension_numbers<[1], [0], [0], [1], [0, 0, 1, 1], [], []>, transpose_lhs_hint = false} : vector<4x64xf32>, vector<64x128xf32>, vector<4x128xf32> -> vector<4x128xf32>
    %slice3A_147 = vector.extract_strided_slice %add3A_25 {offsets = [4, 0], sizes = [1, 128], strides = [1, 1]} : vector<32x256xf32> to vector<1x128xf32>
    %squeeze3A_148 = vector.shape_cast %slice3A_147 : vector<1x128xf32> to vector<128xf32>
    %slice3A_149 = vector.extract_strided_slice %add3A_25 {offsets = [4, 128], sizes = [1, 128], strides = [1, 1]} : vector<32x256xf32> to vector<1x128xf32>
    %squeeze3A_150 = vector.shape_cast %slice3A_149 : vector<1x128xf32> to vector<128xf32>
    %broadcast_in_dim3A_151 = vector.shape_cast %squeeze3A_150 : vector<128xf32> to vector<1x128xf32>
    %sub3A_152 = vector.broadcast %broadcast_in_dim3A_151 : vector<1x128xf32> to vector<16x128xf32>
    %sub3A_153 = vector.broadcast %get3A_4 : vector<16x1xf32> to vector<16x128xf32>
    %sub3A_154 = arith.subf %sub3A_152, %sub3A_153 : vector<16x128xf32>
    %abs3A_155 = math.absf %sub3A_154 : vector<16x128xf32>
    %sub3A_156 = arith.constant 1.000000e+00 : f32
    %sub3A_157 = vector.broadcast %sub3A_156 : f32 to vector<16x128xf32>
    %sub3A_158 = arith.subf %sub3A_157, %abs3A_155 : vector<16x128xf32>
    %max3A_159 = arith.constant 0.000000e+00 : f32
    %max3A_160 = vector.broadcast %max3A_159 : f32 to vector<16x128xf32>
    %max3A_161 = arith.maximumf %max3A_160, %sub3A_158 : vector<16x128xf32>
    %broadcast_in_dim3A_162 = vector.shape_cast %squeeze3A_148 : vector<128xf32> to vector<1x128xf32>
    %sub3A_163 = vector.broadcast %broadcast_in_dim3A_162 : vector<1x128xf32> to vector<64x128xf32>
    %sub3A_164 = vector.broadcast %get3A_7 : vector<64x1xf32> to vector<64x128xf32>
    %sub3A_165 = arith.subf %sub3A_163, %sub3A_164 : vector<64x128xf32>
    %abs3A_166 = math.absf %sub3A_165 : vector<64x128xf32>
    %sub3A_167 = arith.constant 1.000000e+00 : f32
    %sub3A_168 = vector.broadcast %sub3A_167 : f32 to vector<64x128xf32>
    %sub3A_169 = arith.subf %sub3A_168, %abs3A_166 : vector<64x128xf32>
    %max3A_170 = arith.constant 0.000000e+00 : f32
    %max3A_171 = vector.broadcast %max3A_170 : f32 to vector<64x128xf32>
    %max3A_172 = arith.maximumf %max3A_171, %sub3A_169 : vector<64x128xf32>
    %slice3A_173 = vector.extract_strided_slice %get3A_1 {offsets = [64, 0], sizes = [16, 64], strides = [1, 1]} : vector<512x64xf32> to vector<16x64xf32>
    %dot_general3A_174 = arith.constant dense<0.000000e+00> : vector<64x128xf32>
    %dot_general3A_175 = tpu.matmul %slice3A_173, %max3A_161, %dot_general3A_174 {dimension_numbers = #tpu.dot_dimension_numbers<[0], [0], [1], [1], [0, 1, 1, 1], [], []>, transpose_lhs_hint = false} : vector<16x64xf32>, vector<16x128xf32>, vector<64x128xf32> -> vector<64x128xf32>
    %mul3A_176 = arith.mulf %dot_general3A_175, %max3A_172 : vector<64x128xf32>
    %dot_general3A_177 = arith.constant dense<0.000000e+00> : vector<4x128xf32>
    %dot_general3A_178 = tpu.matmul %get3A_10, %mul3A_176, %dot_general3A_177 {dimension_numbers = #tpu.dot_dimension_numbers<[1], [0], [0], [1], [0, 0, 1, 1], [], []>, transpose_lhs_hint = false} : vector<4x64xf32>, vector<64x128xf32>, vector<4x128xf32> -> vector<4x128xf32>
    %slice3A_179 = vector.extract_strided_slice %add3A_25 {offsets = [5, 0], sizes = [1, 128], strides = [1, 1]} : vector<32x256xf32> to vector<1x128xf32>
    %squeeze3A_180 = vector.shape_cast %slice3A_179 : vector<1x128xf32> to vector<128xf32>
    %slice3A_181 = vector.extract_strided_slice %add3A_25 {offsets = [5, 128], sizes = [1, 128], strides = [1, 1]} : vector<32x256xf32> to vector<1x128xf32>
    %squeeze3A_182 = vector.shape_cast %slice3A_181 : vector<1x128xf32> to vector<128xf32>
    %broadcast_in_dim3A_183 = vector.shape_cast %squeeze3A_182 : vector<128xf32> to vector<1x128xf32>
    %sub3A_184 = vector.broadcast %broadcast_in_dim3A_183 : vector<1x128xf32> to vector<16x128xf32>
    %sub3A_185 = vector.broadcast %get3A_4 : vector<16x1xf32> to vector<16x128xf32>
    %sub3A_186 = arith.subf %sub3A_184, %sub3A_185 : vector<16x128xf32>
    %abs3A_187 = math.absf %sub3A_186 : vector<16x128xf32>
    %sub3A_188 = arith.constant 1.000000e+00 : f32
    %sub3A_189 = vector.broadcast %sub3A_188 : f32 to vector<16x128xf32>
    %sub3A_190 = arith.subf %sub3A_189, %abs3A_187 : vector<16x128xf32>
    %max3A_191 = arith.constant 0.000000e+00 : f32
    %max3A_192 = vector.broadcast %max3A_191 : f32 to vector<16x128xf32>
    %max3A_193 = arith.maximumf %max3A_192, %sub3A_190 : vector<16x128xf32>
    %broadcast_in_dim3A_194 = vector.shape_cast %squeeze3A_180 : vector<128xf32> to vector<1x128xf32>
    %sub3A_195 = vector.broadcast %broadcast_in_dim3A_194 : vector<1x128xf32> to vector<64x128xf32>
    %sub3A_196 = vector.broadcast %get3A_7 : vector<64x1xf32> to vector<64x128xf32>
    %sub3A_197 = arith.subf %sub3A_195, %sub3A_196 : vector<64x128xf32>
    %abs3A_198 = math.absf %sub3A_197 : vector<64x128xf32>
    %sub3A_199 = arith.constant 1.000000e+00 : f32
    %sub3A_200 = vector.broadcast %sub3A_199 : f32 to vector<64x128xf32>
    %sub3A_201 = arith.subf %sub3A_200, %abs3A_198 : vector<64x128xf32>
    %max3A_202 = arith.constant 0.000000e+00 : f32
    %max3A_203 = vector.broadcast %max3A_202 : f32 to vector<64x128xf32>
    %max3A_204 = arith.maximumf %max3A_203, %sub3A_201 : vector<64x128xf32>
    %slice3A_205 = vector.extract_strided_slice %get3A_1 {offsets = [80, 0], sizes = [16, 64], strides = [1, 1]} : vector<512x64xf32> to vector<16x64xf32>
    %dot_general3A_206 = arith.constant dense<0.000000e+00> : vector<64x128xf32>
    %dot_general3A_207 = tpu.matmul %slice3A_205, %max3A_193, %dot_general3A_206 {dimension_numbers = #tpu.dot_dimension_numbers<[0], [0], [1], [1], [0, 1, 1, 1], [], []>, transpose_lhs_hint = false} : vector<16x64xf32>, vector<16x128xf32>, vector<64x128xf32> -> vector<64x128xf32>
    %mul3A_208 = arith.mulf %dot_general3A_207, %max3A_204 : vector<64x128xf32>
    %dot_general3A_209 = arith.constant dense<0.000000e+00> : vector<4x128xf32>
    %dot_general3A_210 = tpu.matmul %get3A_10, %mul3A_208, %dot_general3A_209 {dimension_numbers = #tpu.dot_dimension_numbers<[1], [0], [0], [1], [0, 0, 1, 1], [], []>, transpose_lhs_hint = false} : vector<4x64xf32>, vector<64x128xf32>, vector<4x128xf32> -> vector<4x128xf32>
    %slice3A_211 = vector.extract_strided_slice %add3A_25 {offsets = [6, 0], sizes = [1, 128], strides = [1, 1]} : vector<32x256xf32> to vector<1x128xf32>
    %squeeze3A_212 = vector.shape_cast %slice3A_211 : vector<1x128xf32> to vector<128xf32>
    %slice3A_213 = vector.extract_strided_slice %add3A_25 {offsets = [6, 128], sizes = [1, 128], strides = [1, 1]} : vector<32x256xf32> to vector<1x128xf32>
    %squeeze3A_214 = vector.shape_cast %slice3A_213 : vector<1x128xf32> to vector<128xf32>
    %broadcast_in_dim3A_215 = vector.shape_cast %squeeze3A_214 : vector<128xf32> to vector<1x128xf32>
    %sub3A_216 = vector.broadcast %broadcast_in_dim3A_215 : vector<1x128xf32> to vector<16x128xf32>
    %sub3A_217 = vector.broadcast %get3A_4 : vector<16x1xf32> to vector<16x128xf32>
    %sub3A_218 = arith.subf %sub3A_216, %sub3A_217 : vector<16x128xf32>
    %abs3A_219 = math.absf %sub3A_218 : vector<16x128xf32>
    %sub3A_220 = arith.constant 1.000000e+00 : f32
    %sub3A_221 = vector.broadcast %sub3A_220 : f32 to vector<16x128xf32>
    %sub3A_222 = arith.subf %sub3A_221, %abs3A_219 : vector<16x128xf32>
    %max3A_223 = arith.constant 0.000000e+00 : f32
    %max3A_224 = vector.broadcast %max3A_223 : f32 to vector<16x128xf32>
    %max3A_225 = arith.maximumf %max3A_224, %sub3A_222 : vector<16x128xf32>
    %broadcast_in_dim3A_226 = vector.shape_cast %squeeze3A_212 : vector<128xf32> to vector<1x128xf32>
    %sub3A_227 = vector.broadcast %broadcast_in_dim3A_226 : vector<1x128xf32> to vector<64x128xf32>
    %sub3A_228 = vector.broadcast %get3A_7 : vector<64x1xf32> to vector<64x128xf32>
    %sub3A_229 = arith.subf %sub3A_227, %sub3A_228 : vector<64x128xf32>
    %abs3A_230 = math.absf %sub3A_229 : vector<64x128xf32>
    %sub3A_231 = arith.constant 1.000000e+00 : f32
    %sub3A_232 = vector.broadcast %sub3A_231 : f32 to vector<64x128xf32>
    %sub3A_233 = arith.subf %sub3A_232, %abs3A_230 : vector<64x128xf32>
    %max3A_234 = arith.constant 0.000000e+00 : f32
    %max3A_235 = vector.broadcast %max3A_234 : f32 to vector<64x128xf32>
    %max3A_236 = arith.maximumf %max3A_235, %sub3A_233 : vector<64x128xf32>
    %slice3A_237 = vector.extract_strided_slice %get3A_1 {offsets = [96, 0], sizes = [16, 64], strides = [1, 1]} : vector<512x64xf32> to vector<16x64xf32>
    %dot_general3A_238 = arith.constant dense<0.000000e+00> : vector<64x128xf32>
    %dot_general3A_239 = tpu.matmul %slice3A_237, %max3A_225, %dot_general3A_238 {dimension_numbers = #tpu.dot_dimension_numbers<[0], [0], [1], [1], [0, 1, 1, 1], [], []>, transpose_lhs_hint = false} : vector<16x64xf32>, vector<16x128xf32>, vector<64x128xf32> -> vector<64x128xf32>
    %mul3A_240 = arith.mulf %dot_general3A_239, %max3A_236 : vector<64x128xf32>
    %dot_general3A_241 = arith.constant dense<0.000000e+00> : vector<4x128xf32>
    %dot_general3A_242 = tpu.matmul %get3A_10, %mul3A_240, %dot_general3A_241 {dimension_numbers = #tpu.dot_dimension_numbers<[1], [0], [0], [1], [0, 0, 1, 1], [], []>, transpose_lhs_hint = false} : vector<4x64xf32>, vector<64x128xf32>, vector<4x128xf32> -> vector<4x128xf32>
    %slice3A_243 = vector.extract_strided_slice %add3A_25 {offsets = [7, 0], sizes = [1, 128], strides = [1, 1]} : vector<32x256xf32> to vector<1x128xf32>
    %squeeze3A_244 = vector.shape_cast %slice3A_243 : vector<1x128xf32> to vector<128xf32>
    %slice3A_245 = vector.extract_strided_slice %add3A_25 {offsets = [7, 128], sizes = [1, 128], strides = [1, 1]} : vector<32x256xf32> to vector<1x128xf32>
    %squeeze3A_246 = vector.shape_cast %slice3A_245 : vector<1x128xf32> to vector<128xf32>
    %broadcast_in_dim3A_247 = vector.shape_cast %squeeze3A_246 : vector<128xf32> to vector<1x128xf32>
    %sub3A_248 = vector.broadcast %broadcast_in_dim3A_247 : vector<1x128xf32> to vector<16x128xf32>
    %sub3A_249 = vector.broadcast %get3A_4 : vector<16x1xf32> to vector<16x128xf32>
    %sub3A_250 = arith.subf %sub3A_248, %sub3A_249 : vector<16x128xf32>
    %abs3A_251 = math.absf %sub3A_250 : vector<16x128xf32>
    %sub3A_252 = arith.constant 1.000000e+00 : f32
    %sub3A_253 = vector.broadcast %sub3A_252 : f32 to vector<16x128xf32>
    %sub3A_254 = arith.subf %sub3A_253, %abs3A_251 : vector<16x128xf32>
    %max3A_255 = arith.constant 0.000000e+00 : f32
    %max3A_256 = vector.broadcast %max3A_255 : f32 to vector<16x128xf32>
    %max3A_257 = arith.maximumf %max3A_256, %sub3A_254 : vector<16x128xf32>
    %broadcast_in_dim3A_258 = vector.shape_cast %squeeze3A_244 : vector<128xf32> to vector<1x128xf32>
    %sub3A_259 = vector.broadcast %broadcast_in_dim3A_258 : vector<1x128xf32> to vector<64x128xf32>
    %sub3A_260 = vector.broadcast %get3A_7 : vector<64x1xf32> to vector<64x128xf32>
    %sub3A_261 = arith.subf %sub3A_259, %sub3A_260 : vector<64x128xf32>
    %abs3A_262 = math.absf %sub3A_261 : vector<64x128xf32>
    %sub3A_263 = arith.constant 1.000000e+00 : f32
    %sub3A_264 = vector.broadcast %sub3A_263 : f32 to vector<64x128xf32>
    %sub3A_265 = arith.subf %sub3A_264, %abs3A_262 : vector<64x128xf32>
    %max3A_266 = arith.constant 0.000000e+00 : f32
    %max3A_267 = vector.broadcast %max3A_266 : f32 to vector<64x128xf32>
    %max3A_268 = arith.maximumf %max3A_267, %sub3A_265 : vector<64x128xf32>
    %slice3A_269 = vector.extract_strided_slice %get3A_1 {offsets = [112, 0], sizes = [16, 64], strides = [1, 1]} : vector<512x64xf32> to vector<16x64xf32>
    %dot_general3A_270 = arith.constant dense<0.000000e+00> : vector<64x128xf32>
    %dot_general3A_271 = tpu.matmul %slice3A_269, %max3A_257, %dot_general3A_270 {dimension_numbers = #tpu.dot_dimension_numbers<[0], [0], [1], [1], [0, 1, 1, 1], [], []>, transpose_lhs_hint = false} : vector<16x64xf32>, vector<16x128xf32>, vector<64x128xf32> -> vector<64x128xf32>
    %mul3A_272 = arith.mulf %dot_general3A_271, %max3A_268 : vector<64x128xf32>
    %dot_general3A_273 = arith.constant dense<0.000000e+00> : vector<4x128xf32>
    %dot_general3A_274 = tpu.matmul %get3A_10, %mul3A_272, %dot_general3A_273 {dimension_numbers = #tpu.dot_dimension_numbers<[1], [0], [0], [1], [0, 0, 1, 1], [], []>, transpose_lhs_hint = false} : vector<4x64xf32>, vector<64x128xf32>, vector<4x128xf32> -> vector<4x128xf32>
    %slice3A_275 = vector.extract_strided_slice %add3A_25 {offsets = [8, 0], sizes = [1, 128], strides = [1, 1]} : vector<32x256xf32> to vector<1x128xf32>
    %squeeze3A_276 = vector.shape_cast %slice3A_275 : vector<1x128xf32> to vector<128xf32>
    %slice3A_277 = vector.extract_strided_slice %add3A_25 {offsets = [8, 128], sizes = [1, 128], strides = [1, 1]} : vector<32x256xf32> to vector<1x128xf32>
    %squeeze3A_278 = vector.shape_cast %slice3A_277 : vector<1x128xf32> to vector<128xf32>
    %broadcast_in_dim3A_279 = vector.shape_cast %squeeze3A_278 : vector<128xf32> to vector<1x128xf32>
    %sub3A_280 = vector.broadcast %broadcast_in_dim3A_279 : vector<1x128xf32> to vector<16x128xf32>
    %sub3A_281 = vector.broadcast %get3A_4 : vector<16x1xf32> to vector<16x128xf32>
    %sub3A_282 = arith.subf %sub3A_280, %sub3A_281 : vector<16x128xf32>
    %abs3A_283 = math.absf %sub3A_282 : vector<16x128xf32>
    %sub3A_284 = arith.constant 1.000000e+00 : f32
    %sub3A_285 = vector.broadcast %sub3A_284 : f32 to vector<16x128xf32>
    %sub3A_286 = arith.subf %sub3A_285, %abs3A_283 : vector<16x128xf32>
    %max3A_287 = arith.constant 0.000000e+00 : f32
    %max3A_288 = vector.broadcast %max3A_287 : f32 to vector<16x128xf32>
    %max3A_289 = arith.maximumf %max3A_288, %sub3A_286 : vector<16x128xf32>
    %broadcast_in_dim3A_290 = vector.shape_cast %squeeze3A_276 : vector<128xf32> to vector<1x128xf32>
    %sub3A_291 = vector.broadcast %broadcast_in_dim3A_290 : vector<1x128xf32> to vector<64x128xf32>
    %sub3A_292 = vector.broadcast %get3A_7 : vector<64x1xf32> to vector<64x128xf32>
    %sub3A_293 = arith.subf %sub3A_291, %sub3A_292 : vector<64x128xf32>
    %abs3A_294 = math.absf %sub3A_293 : vector<64x128xf32>
    %sub3A_295 = arith.constant 1.000000e+00 : f32
    %sub3A_296 = vector.broadcast %sub3A_295 : f32 to vector<64x128xf32>
    %sub3A_297 = arith.subf %sub3A_296, %abs3A_294 : vector<64x128xf32>
    %max3A_298 = arith.constant 0.000000e+00 : f32
    %max3A_299 = vector.broadcast %max3A_298 : f32 to vector<64x128xf32>
    %max3A_300 = arith.maximumf %max3A_299, %sub3A_297 : vector<64x128xf32>
    %slice3A_301 = vector.extract_strided_slice %get3A_1 {offsets = [128, 0], sizes = [16, 64], strides = [1, 1]} : vector<512x64xf32> to vector<16x64xf32>
    %dot_general3A_302 = arith.constant dense<0.000000e+00> : vector<64x128xf32>
    %dot_general3A_303 = tpu.matmul %slice3A_301, %max3A_289, %dot_general3A_302 {dimension_numbers = #tpu.dot_dimension_numbers<[0], [0], [1], [1], [0, 1, 1, 1], [], []>, transpose_lhs_hint = false} : vector<16x64xf32>, vector<16x128xf32>, vector<64x128xf32> -> vector<64x128xf32>
    %mul3A_304 = arith.mulf %dot_general3A_303, %max3A_300 : vector<64x128xf32>
    %dot_general3A_305 = arith.constant dense<0.000000e+00> : vector<4x128xf32>
    %dot_general3A_306 = tpu.matmul %get3A_10, %mul3A_304, %dot_general3A_305 {dimension_numbers = #tpu.dot_dimension_numbers<[1], [0], [0], [1], [0, 0, 1, 1], [], []>, transpose_lhs_hint = false} : vector<4x64xf32>, vector<64x128xf32>, vector<4x128xf32> -> vector<4x128xf32>
    %slice3A_307 = vector.extract_strided_slice %add3A_25 {offsets = [9, 0], sizes = [1, 128], strides = [1, 1]} : vector<32x256xf32> to vector<1x128xf32>
    %squeeze3A_308 = vector.shape_cast %slice3A_307 : vector<1x128xf32> to vector<128xf32>
    %slice3A_309 = vector.extract_strided_slice %add3A_25 {offsets = [9, 128], sizes = [1, 128], strides = [1, 1]} : vector<32x256xf32> to vector<1x128xf32>
    %squeeze3A_310 = vector.shape_cast %slice3A_309 : vector<1x128xf32> to vector<128xf32>
    %broadcast_in_dim3A_311 = vector.shape_cast %squeeze3A_310 : vector<128xf32> to vector<1x128xf32>
    %sub3A_312 = vector.broadcast %broadcast_in_dim3A_311 : vector<1x128xf32> to vector<16x128xf32>
    %sub3A_313 = vector.broadcast %get3A_4 : vector<16x1xf32> to vector<16x128xf32>
    %sub3A_314 = arith.subf %sub3A_312, %sub3A_313 : vector<16x128xf32>
    %abs3A_315 = math.absf %sub3A_314 : vector<16x128xf32>
    %sub3A_316 = arith.constant 1.000000e+00 : f32
    %sub3A_317 = vector.broadcast %sub3A_316 : f32 to vector<16x128xf32>
    %sub3A_318 = arith.subf %sub3A_317, %abs3A_315 : vector<16x128xf32>
    %max3A_319 = arith.constant 0.000000e+00 : f32
    %max3A_320 = vector.broadcast %max3A_319 : f32 to vector<16x128xf32>
    %max3A_321 = arith.maximumf %max3A_320, %sub3A_318 : vector<16x128xf32>
    %broadcast_in_dim3A_322 = vector.shape_cast %squeeze3A_308 : vector<128xf32> to vector<1x128xf32>
    %sub3A_323 = vector.broadcast %broadcast_in_dim3A_322 : vector<1x128xf32> to vector<64x128xf32>
    %sub3A_324 = vector.broadcast %get3A_7 : vector<64x1xf32> to vector<64x128xf32>
    %sub3A_325 = arith.subf %sub3A_323, %sub3A_324 : vector<64x128xf32>
    %abs3A_326 = math.absf %sub3A_325 : vector<64x128xf32>
    %sub3A_327 = arith.constant 1.000000e+00 : f32
    %sub3A_328 = vector.broadcast %sub3A_327 : f32 to vector<64x128xf32>
    %sub3A_329 = arith.subf %sub3A_328, %abs3A_326 : vector<64x128xf32>
    %max3A_330 = arith.constant 0.000000e+00 : f32
    %max3A_331 = vector.broadcast %max3A_330 : f32 to vector<64x128xf32>
    %max3A_332 = arith.maximumf %max3A_331, %sub3A_329 : vector<64x128xf32>
    %slice3A_333 = vector.extract_strided_slice %get3A_1 {offsets = [144, 0], sizes = [16, 64], strides = [1, 1]} : vector<512x64xf32> to vector<16x64xf32>
    %dot_general3A_334 = arith.constant dense<0.000000e+00> : vector<64x128xf32>
    %dot_general3A_335 = tpu.matmul %slice3A_333, %max3A_321, %dot_general3A_334 {dimension_numbers = #tpu.dot_dimension_numbers<[0], [0], [1], [1], [0, 1, 1, 1], [], []>, transpose_lhs_hint = false} : vector<16x64xf32>, vector<16x128xf32>, vector<64x128xf32> -> vector<64x128xf32>
    %mul3A_336 = arith.mulf %dot_general3A_335, %max3A_332 : vector<64x128xf32>
    %dot_general3A_337 = arith.constant dense<0.000000e+00> : vector<4x128xf32>
    %dot_general3A_338 = tpu.matmul %get3A_10, %mul3A_336, %dot_general3A_337 {dimension_numbers = #tpu.dot_dimension_numbers<[1], [0], [0], [1], [0, 0, 1, 1], [], []>, transpose_lhs_hint = false} : vector<4x64xf32>, vector<64x128xf32>, vector<4x128xf32> -> vector<4x128xf32>
    %slice3A_339 = vector.extract_strided_slice %add3A_25 {offsets = [10, 0], sizes = [1, 128], strides = [1, 1]} : vector<32x256xf32> to vector<1x128xf32>
    %squeeze3A_340 = vector.shape_cast %slice3A_339 : vector<1x128xf32> to vector<128xf32>
    %slice3A_341 = vector.extract_strided_slice %add3A_25 {offsets = [10, 128], sizes = [1, 128], strides = [1, 1]} : vector<32x256xf32> to vector<1x128xf32>
    %squeeze3A_342 = vector.shape_cast %slice3A_341 : vector<1x128xf32> to vector<128xf32>
    %broadcast_in_dim3A_343 = vector.shape_cast %squeeze3A_342 : vector<128xf32> to vector<1x128xf32>
    %sub3A_344 = vector.broadcast %broadcast_in_dim3A_343 : vector<1x128xf32> to vector<16x128xf32>
    %sub3A_345 = vector.broadcast %get3A_4 : vector<16x1xf32> to vector<16x128xf32>
    %sub3A_346 = arith.subf %sub3A_344, %sub3A_345 : vector<16x128xf32>
    %abs3A_347 = math.absf %sub3A_346 : vector<16x128xf32>
    %sub3A_348 = arith.constant 1.000000e+00 : f32
    %sub3A_349 = vector.broadcast %sub3A_348 : f32 to vector<16x128xf32>
    %sub3A_350 = arith.subf %sub3A_349, %abs3A_347 : vector<16x128xf32>
    %max3A_351 = arith.constant 0.000000e+00 : f32
    %max3A_352 = vector.broadcast %max3A_351 : f32 to vector<16x128xf32>
    %max3A_353 = arith.maximumf %max3A_352, %sub3A_350 : vector<16x128xf32>
    %broadcast_in_dim3A_354 = vector.shape_cast %squeeze3A_340 : vector<128xf32> to vector<1x128xf32>
    %sub3A_355 = vector.broadcast %broadcast_in_dim3A_354 : vector<1x128xf32> to vector<64x128xf32>
    %sub3A_356 = vector.broadcast %get3A_7 : vector<64x1xf32> to vector<64x128xf32>
    %sub3A_357 = arith.subf %sub3A_355, %sub3A_356 : vector<64x128xf32>
    %abs3A_358 = math.absf %sub3A_357 : vector<64x128xf32>
    %sub3A_359 = arith.constant 1.000000e+00 : f32
    %sub3A_360 = vector.broadcast %sub3A_359 : f32 to vector<64x128xf32>
    %sub3A_361 = arith.subf %sub3A_360, %abs3A_358 : vector<64x128xf32>
    %max3A_362 = arith.constant 0.000000e+00 : f32
    %max3A_363 = vector.broadcast %max3A_362 : f32 to vector<64x128xf32>
    %max3A_364 = arith.maximumf %max3A_363, %sub3A_361 : vector<64x128xf32>
    %slice3A_365 = vector.extract_strided_slice %get3A_1 {offsets = [160, 0], sizes = [16, 64], strides = [1, 1]} : vector<512x64xf32> to vector<16x64xf32>
    %dot_general3A_366 = arith.constant dense<0.000000e+00> : vector<64x128xf32>
    %dot_general3A_367 = tpu.matmul %slice3A_365, %max3A_353, %dot_general3A_366 {dimension_numbers = #tpu.dot_dimension_numbers<[0], [0], [1], [1], [0, 1, 1, 1], [], []>, transpose_lhs_hint = false} : vector<16x64xf32>, vector<16x128xf32>, vector<64x128xf32> -> vector<64x128xf32>
    %mul3A_368 = arith.mulf %dot_general3A_367, %max3A_364 : vector<64x128xf32>
    %dot_general3A_369 = arith.constant dense<0.000000e+00> : vector<4x128xf32>
    %dot_general3A_370 = tpu.matmul %get3A_10, %mul3A_368, %dot_general3A_369 {dimension_numbers = #tpu.dot_dimension_numbers<[1], [0], [0], [1], [0, 0, 1, 1], [], []>, transpose_lhs_hint = false} : vector<4x64xf32>, vector<64x128xf32>, vector<4x128xf32> -> vector<4x128xf32>
    %slice3A_371 = vector.extract_strided_slice %add3A_25 {offsets = [11, 0], sizes = [1, 128], strides = [1, 1]} : vector<32x256xf32> to vector<1x128xf32>
    %squeeze3A_372 = vector.shape_cast %slice3A_371 : vector<1x128xf32> to vector<128xf32>
    %slice3A_373 = vector.extract_strided_slice %add3A_25 {offsets = [11, 128], sizes = [1, 128], strides = [1, 1]} : vector<32x256xf32> to vector<1x128xf32>
    %squeeze3A_374 = vector.shape_cast %slice3A_373 : vector<1x128xf32> to vector<128xf32>
    %broadcast_in_dim3A_375 = vector.shape_cast %squeeze3A_374 : vector<128xf32> to vector<1x128xf32>
    %sub3A_376 = vector.broadcast %broadcast_in_dim3A_375 : vector<1x128xf32> to vector<16x128xf32>
    %sub3A_377 = vector.broadcast %get3A_4 : vector<16x1xf32> to vector<16x128xf32>
    %sub3A_378 = arith.subf %sub3A_376, %sub3A_377 : vector<16x128xf32>
    %abs3A_379 = math.absf %sub3A_378 : vector<16x128xf32>
    %sub3A_380 = arith.constant 1.000000e+00 : f32
    %sub3A_381 = vector.broadcast %sub3A_380 : f32 to vector<16x128xf32>
    %sub3A_382 = arith.subf %sub3A_381, %abs3A_379 : vector<16x128xf32>
    %max3A_383 = arith.constant 0.000000e+00 : f32
    %max3A_384 = vector.broadcast %max3A_383 : f32 to vector<16x128xf32>
    %max3A_385 = arith.maximumf %max3A_384, %sub3A_382 : vector<16x128xf32>
    %broadcast_in_dim3A_386 = vector.shape_cast %squeeze3A_372 : vector<128xf32> to vector<1x128xf32>
    %sub3A_387 = vector.broadcast %broadcast_in_dim3A_386 : vector<1x128xf32> to vector<64x128xf32>
    %sub3A_388 = vector.broadcast %get3A_7 : vector<64x1xf32> to vector<64x128xf32>
    %sub3A_389 = arith.subf %sub3A_387, %sub3A_388 : vector<64x128xf32>
    %abs3A_390 = math.absf %sub3A_389 : vector<64x128xf32>
    %sub3A_391 = arith.constant 1.000000e+00 : f32
    %sub3A_392 = vector.broadcast %sub3A_391 : f32 to vector<64x128xf32>
    %sub3A_393 = arith.subf %sub3A_392, %abs3A_390 : vector<64x128xf32>
    %max3A_394 = arith.constant 0.000000e+00 : f32
    %max3A_395 = vector.broadcast %max3A_394 : f32 to vector<64x128xf32>
    %max3A_396 = arith.maximumf %max3A_395, %sub3A_393 : vector<64x128xf32>
    %slice3A_397 = vector.extract_strided_slice %get3A_1 {offsets = [176, 0], sizes = [16, 64], strides = [1, 1]} : vector<512x64xf32> to vector<16x64xf32>
    %dot_general3A_398 = arith.constant dense<0.000000e+00> : vector<64x128xf32>
    %dot_general3A_399 = tpu.matmul %slice3A_397, %max3A_385, %dot_general3A_398 {dimension_numbers = #tpu.dot_dimension_numbers<[0], [0], [1], [1], [0, 1, 1, 1], [], []>, transpose_lhs_hint = false} : vector<16x64xf32>, vector<16x128xf32>, vector<64x128xf32> -> vector<64x128xf32>
    %mul3A_400 = arith.mulf %dot_general3A_399, %max3A_396 : vector<64x128xf32>
    %dot_general3A_401 = arith.constant dense<0.000000e+00> : vector<4x128xf32>
    %dot_general3A_402 = tpu.matmul %get3A_10, %mul3A_400, %dot_general3A_401 {dimension_numbers = #tpu.dot_dimension_numbers<[1], [0], [0], [1], [0, 0, 1, 1], [], []>, transpose_lhs_hint = false} : vector<4x64xf32>, vector<64x128xf32>, vector<4x128xf32> -> vector<4x128xf32>
    %slice3A_403 = vector.extract_strided_slice %add3A_25 {offsets = [12, 0], sizes = [1, 128], strides = [1, 1]} : vector<32x256xf32> to vector<1x128xf32>
    %squeeze3A_404 = vector.shape_cast %slice3A_403 : vector<1x128xf32> to vector<128xf32>
    %slice3A_405 = vector.extract_strided_slice %add3A_25 {offsets = [12, 128], sizes = [1, 128], strides = [1, 1]} : vector<32x256xf32> to vector<1x128xf32>
    %squeeze3A_406 = vector.shape_cast %slice3A_405 : vector<1x128xf32> to vector<128xf32>
    %broadcast_in_dim3A_407 = vector.shape_cast %squeeze3A_406 : vector<128xf32> to vector<1x128xf32>
    %sub3A_408 = vector.broadcast %broadcast_in_dim3A_407 : vector<1x128xf32> to vector<16x128xf32>
    %sub3A_409 = vector.broadcast %get3A_4 : vector<16x1xf32> to vector<16x128xf32>
    %sub3A_410 = arith.subf %sub3A_408, %sub3A_409 : vector<16x128xf32>
    %abs3A_411 = math.absf %sub3A_410 : vector<16x128xf32>
    %sub3A_412 = arith.constant 1.000000e+00 : f32
    %sub3A_413 = vector.broadcast %sub3A_412 : f32 to vector<16x128xf32>
    %sub3A_414 = arith.subf %sub3A_413, %abs3A_411 : vector<16x128xf32>
    %max3A_415 = arith.constant 0.000000e+00 : f32
    %max3A_416 = vector.broadcast %max3A_415 : f32 to vector<16x128xf32>
    %max3A_417 = arith.maximumf %max3A_416, %sub3A_414 : vector<16x128xf32>
    %broadcast_in_dim3A_418 = vector.shape_cast %squeeze3A_404 : vector<128xf32> to vector<1x128xf32>
    %sub3A_419 = vector.broadcast %broadcast_in_dim3A_418 : vector<1x128xf32> to vector<64x128xf32>
    %sub3A_420 = vector.broadcast %get3A_7 : vector<64x1xf32> to vector<64x128xf32>
    %sub3A_421 = arith.subf %sub3A_419, %sub3A_420 : vector<64x128xf32>
    %abs3A_422 = math.absf %sub3A_421 : vector<64x128xf32>
    %sub3A_423 = arith.constant 1.000000e+00 : f32
    %sub3A_424 = vector.broadcast %sub3A_423 : f32 to vector<64x128xf32>
    %sub3A_425 = arith.subf %sub3A_424, %abs3A_422 : vector<64x128xf32>
    %max3A_426 = arith.constant 0.000000e+00 : f32
    %max3A_427 = vector.broadcast %max3A_426 : f32 to vector<64x128xf32>
    %max3A_428 = arith.maximumf %max3A_427, %sub3A_425 : vector<64x128xf32>
    %slice3A_429 = vector.extract_strided_slice %get3A_1 {offsets = [192, 0], sizes = [16, 64], strides = [1, 1]} : vector<512x64xf32> to vector<16x64xf32>
    %dot_general3A_430 = arith.constant dense<0.000000e+00> : vector<64x128xf32>
    %dot_general3A_431 = tpu.matmul %slice3A_429, %max3A_417, %dot_general3A_430 {dimension_numbers = #tpu.dot_dimension_numbers<[0], [0], [1], [1], [0, 1, 1, 1], [], []>, transpose_lhs_hint = false} : vector<16x64xf32>, vector<16x128xf32>, vector<64x128xf32> -> vector<64x128xf32>
    %mul3A_432 = arith.mulf %dot_general3A_431, %max3A_428 : vector<64x128xf32>
    %dot_general3A_433 = arith.constant dense<0.000000e+00> : vector<4x128xf32>
    %dot_general3A_434 = tpu.matmul %get3A_10, %mul3A_432, %dot_general3A_433 {dimension_numbers = #tpu.dot_dimension_numbers<[1], [0], [0], [1], [0, 0, 1, 1], [], []>, transpose_lhs_hint = false} : vector<4x64xf32>, vector<64x128xf32>, vector<4x128xf32> -> vector<4x128xf32>
    %slice3A_435 = vector.extract_strided_slice %add3A_25 {offsets = [13, 0], sizes = [1, 128], strides = [1, 1]} : vector<32x256xf32> to vector<1x128xf32>
    %squeeze3A_436 = vector.shape_cast %slice3A_435 : vector<1x128xf32> to vector<128xf32>
    %slice3A_437 = vector.extract_strided_slice %add3A_25 {offsets = [13, 128], sizes = [1, 128], strides = [1, 1]} : vector<32x256xf32> to vector<1x128xf32>
    %squeeze3A_438 = vector.shape_cast %slice3A_437 : vector<1x128xf32> to vector<128xf32>
    %broadcast_in_dim3A_439 = vector.shape_cast %squeeze3A_438 : vector<128xf32> to vector<1x128xf32>
    %sub3A_440 = vector.broadcast %broadcast_in_dim3A_439 : vector<1x128xf32> to vector<16x128xf32>
    %sub3A_441 = vector.broadcast %get3A_4 : vector<16x1xf32> to vector<16x128xf32>
    %sub3A_442 = arith.subf %sub3A_440, %sub3A_441 : vector<16x128xf32>
    %abs3A_443 = math.absf %sub3A_442 : vector<16x128xf32>
    %sub3A_444 = arith.constant 1.000000e+00 : f32
    %sub3A_445 = vector.broadcast %sub3A_444 : f32 to vector<16x128xf32>
    %sub3A_446 = arith.subf %sub3A_445, %abs3A_443 : vector<16x128xf32>
    %max3A_447 = arith.constant 0.000000e+00 : f32
    %max3A_448 = vector.broadcast %max3A_447 : f32 to vector<16x128xf32>
    %max3A_449 = arith.maximumf %max3A_448, %sub3A_446 : vector<16x128xf32>
    %broadcast_in_dim3A_450 = vector.shape_cast %squeeze3A_436 : vector<128xf32> to vector<1x128xf32>
    %sub3A_451 = vector.broadcast %broadcast_in_dim3A_450 : vector<1x128xf32> to vector<64x128xf32>
    %sub3A_452 = vector.broadcast %get3A_7 : vector<64x1xf32> to vector<64x128xf32>
    %sub3A_453 = arith.subf %sub3A_451, %sub3A_452 : vector<64x128xf32>
    %abs3A_454 = math.absf %sub3A_453 : vector<64x128xf32>
    %sub3A_455 = arith.constant 1.000000e+00 : f32
    %sub3A_456 = vector.broadcast %sub3A_455 : f32 to vector<64x128xf32>
    %sub3A_457 = arith.subf %sub3A_456, %abs3A_454 : vector<64x128xf32>
    %max3A_458 = arith.constant 0.000000e+00 : f32
    %max3A_459 = vector.broadcast %max3A_458 : f32 to vector<64x128xf32>
    %max3A_460 = arith.maximumf %max3A_459, %sub3A_457 : vector<64x128xf32>
    %slice3A_461 = vector.extract_strided_slice %get3A_1 {offsets = [208, 0], sizes = [16, 64], strides = [1, 1]} : vector<512x64xf32> to vector<16x64xf32>
    %dot_general3A_462 = arith.constant dense<0.000000e+00> : vector<64x128xf32>
    %dot_general3A_463 = tpu.matmul %slice3A_461, %max3A_449, %dot_general3A_462 {dimension_numbers = #tpu.dot_dimension_numbers<[0], [0], [1], [1], [0, 1, 1, 1], [], []>, transpose_lhs_hint = false} : vector<16x64xf32>, vector<16x128xf32>, vector<64x128xf32> -> vector<64x128xf32>
    %mul3A_464 = arith.mulf %dot_general3A_463, %max3A_460 : vector<64x128xf32>
    %dot_general3A_465 = arith.constant dense<0.000000e+00> : vector<4x128xf32>
    %dot_general3A_466 = tpu.matmul %get3A_10, %mul3A_464, %dot_general3A_465 {dimension_numbers = #tpu.dot_dimension_numbers<[1], [0], [0], [1], [0, 0, 1, 1], [], []>, transpose_lhs_hint = false} : vector<4x64xf32>, vector<64x128xf32>, vector<4x128xf32> -> vector<4x128xf32>
    %slice3A_467 = vector.extract_strided_slice %add3A_25 {offsets = [14, 0], sizes = [1, 128], strides = [1, 1]} : vector<32x256xf32> to vector<1x128xf32>
    %squeeze3A_468 = vector.shape_cast %slice3A_467 : vector<1x128xf32> to vector<128xf32>
    %slice3A_469 = vector.extract_strided_slice %add3A_25 {offsets = [14, 128], sizes = [1, 128], strides = [1, 1]} : vector<32x256xf32> to vector<1x128xf32>
    %squeeze3A_470 = vector.shape_cast %slice3A_469 : vector<1x128xf32> to vector<128xf32>
    %broadcast_in_dim3A_471 = vector.shape_cast %squeeze3A_470 : vector<128xf32> to vector<1x128xf32>
    %sub3A_472 = vector.broadcast %broadcast_in_dim3A_471 : vector<1x128xf32> to vector<16x128xf32>
    %sub3A_473 = vector.broadcast %get3A_4 : vector<16x1xf32> to vector<16x128xf32>
    %sub3A_474 = arith.subf %sub3A_472, %sub3A_473 : vector<16x128xf32>
    %abs3A_475 = math.absf %sub3A_474 : vector<16x128xf32>
    %sub3A_476 = arith.constant 1.000000e+00 : f32
    %sub3A_477 = vector.broadcast %sub3A_476 : f32 to vector<16x128xf32>
    %sub3A_478 = arith.subf %sub3A_477, %abs3A_475 : vector<16x128xf32>
    %max3A_479 = arith.constant 0.000000e+00 : f32
    %max3A_480 = vector.broadcast %max3A_479 : f32 to vector<16x128xf32>
    %max3A_481 = arith.maximumf %max3A_480, %sub3A_478 : vector<16x128xf32>
    %broadcast_in_dim3A_482 = vector.shape_cast %squeeze3A_468 : vector<128xf32> to vector<1x128xf32>
    %sub3A_483 = vector.broadcast %broadcast_in_dim3A_482 : vector<1x128xf32> to vector<64x128xf32>
    %sub3A_484 = vector.broadcast %get3A_7 : vector<64x1xf32> to vector<64x128xf32>
    %sub3A_485 = arith.subf %sub3A_483, %sub3A_484 : vector<64x128xf32>
    %abs3A_486 = math.absf %sub3A_485 : vector<64x128xf32>
    %sub3A_487 = arith.constant 1.000000e+00 : f32
    %sub3A_488 = vector.broadcast %sub3A_487 : f32 to vector<64x128xf32>
    %sub3A_489 = arith.subf %sub3A_488, %abs3A_486 : vector<64x128xf32>
    %max3A_490 = arith.constant 0.000000e+00 : f32
    %max3A_491 = vector.broadcast %max3A_490 : f32 to vector<64x128xf32>
    %max3A_492 = arith.maximumf %max3A_491, %sub3A_489 : vector<64x128xf32>
    %slice3A_493 = vector.extract_strided_slice %get3A_1 {offsets = [224, 0], sizes = [16, 64], strides = [1, 1]} : vector<512x64xf32> to vector<16x64xf32>
    %dot_general3A_494 = arith.constant dense<0.000000e+00> : vector<64x128xf32>
    %dot_general3A_495 = tpu.matmul %slice3A_493, %max3A_481, %dot_general3A_494 {dimension_numbers = #tpu.dot_dimension_numbers<[0], [0], [1], [1], [0, 1, 1, 1], [], []>, transpose_lhs_hint = false} : vector<16x64xf32>, vector<16x128xf32>, vector<64x128xf32> -> vector<64x128xf32>
    %mul3A_496 = arith.mulf %dot_general3A_495, %max3A_492 : vector<64x128xf32>
    %dot_general3A_497 = arith.constant dense<0.000000e+00> : vector<4x128xf32>
    %dot_general3A_498 = tpu.matmul %get3A_10, %mul3A_496, %dot_general3A_497 {dimension_numbers = #tpu.dot_dimension_numbers<[1], [0], [0], [1], [0, 0, 1, 1], [], []>, transpose_lhs_hint = false} : vector<4x64xf32>, vector<64x128xf32>, vector<4x128xf32> -> vector<4x128xf32>
    %slice3A_499 = vector.extract_strided_slice %add3A_25 {offsets = [15, 0], sizes = [1, 128], strides = [1, 1]} : vector<32x256xf32> to vector<1x128xf32>
    %squeeze3A_500 = vector.shape_cast %slice3A_499 : vector<1x128xf32> to vector<128xf32>
    %slice3A_501 = vector.extract_strided_slice %add3A_25 {offsets = [15, 128], sizes = [1, 128], strides = [1, 1]} : vector<32x256xf32> to vector<1x128xf32>
    %squeeze3A_502 = vector.shape_cast %slice3A_501 : vector<1x128xf32> to vector<128xf32>
    %broadcast_in_dim3A_503 = vector.shape_cast %squeeze3A_502 : vector<128xf32> to vector<1x128xf32>
    %sub3A_504 = vector.broadcast %broadcast_in_dim3A_503 : vector<1x128xf32> to vector<16x128xf32>
    %sub3A_505 = vector.broadcast %get3A_4 : vector<16x1xf32> to vector<16x128xf32>
    %sub3A_506 = arith.subf %sub3A_504, %sub3A_505 : vector<16x128xf32>
    %abs3A_507 = math.absf %sub3A_506 : vector<16x128xf32>
    %sub3A_508 = arith.constant 1.000000e+00 : f32
    %sub3A_509 = vector.broadcast %sub3A_508 : f32 to vector<16x128xf32>
    %sub3A_510 = arith.subf %sub3A_509, %abs3A_507 : vector<16x128xf32>
    %max3A_511 = arith.constant 0.000000e+00 : f32
    %max3A_512 = vector.broadcast %max3A_511 : f32 to vector<16x128xf32>
    %max3A_513 = arith.maximumf %max3A_512, %sub3A_510 : vector<16x128xf32>
    %broadcast_in_dim3A_514 = vector.shape_cast %squeeze3A_500 : vector<128xf32> to vector<1x128xf32>
    %sub3A_515 = vector.broadcast %broadcast_in_dim3A_514 : vector<1x128xf32> to vector<64x128xf32>
    %sub3A_516 = vector.broadcast %get3A_7 : vector<64x1xf32> to vector<64x128xf32>
    %sub3A_517 = arith.subf %sub3A_515, %sub3A_516 : vector<64x128xf32>
    %abs3A_518 = math.absf %sub3A_517 : vector<64x128xf32>
    %sub3A_519 = arith.constant 1.000000e+00 : f32
    %sub3A_520 = vector.broadcast %sub3A_519 : f32 to vector<64x128xf32>
    %sub3A_521 = arith.subf %sub3A_520, %abs3A_518 : vector<64x128xf32>
    %max3A_522 = arith.constant 0.000000e+00 : f32
    %max3A_523 = vector.broadcast %max3A_522 : f32 to vector<64x128xf32>
    %max3A_524 = arith.maximumf %max3A_523, %sub3A_521 : vector<64x128xf32>
    %slice3A_525 = vector.extract_strided_slice %get3A_1 {offsets = [240, 0], sizes = [16, 64], strides = [1, 1]} : vector<512x64xf32> to vector<16x64xf32>
    %dot_general3A_526 = arith.constant dense<0.000000e+00> : vector<64x128xf32>
    %dot_general3A_527 = tpu.matmul %slice3A_525, %max3A_513, %dot_general3A_526 {dimension_numbers = #tpu.dot_dimension_numbers<[0], [0], [1], [1], [0, 1, 1, 1], [], []>, transpose_lhs_hint = false} : vector<16x64xf32>, vector<16x128xf32>, vector<64x128xf32> -> vector<64x128xf32>
    %mul3A_528 = arith.mulf %dot_general3A_527, %max3A_524 : vector<64x128xf32>
    %dot_general3A_529 = arith.constant dense<0.000000e+00> : vector<4x128xf32>
    %dot_general3A_530 = tpu.matmul %get3A_10, %mul3A_528, %dot_general3A_529 {dimension_numbers = #tpu.dot_dimension_numbers<[1], [0], [0], [1], [0, 0, 1, 1], [], []>, transpose_lhs_hint = false} : vector<4x64xf32>, vector<64x128xf32>, vector<4x128xf32> -> vector<4x128xf32>
    %slice3A_531 = vector.extract_strided_slice %add3A_25 {offsets = [16, 0], sizes = [1, 128], strides = [1, 1]} : vector<32x256xf32> to vector<1x128xf32>
    %squeeze3A_532 = vector.shape_cast %slice3A_531 : vector<1x128xf32> to vector<128xf32>
    %slice3A_533 = vector.extract_strided_slice %add3A_25 {offsets = [16, 128], sizes = [1, 128], strides = [1, 1]} : vector<32x256xf32> to vector<1x128xf32>
    %squeeze3A_534 = vector.shape_cast %slice3A_533 : vector<1x128xf32> to vector<128xf32>
    %broadcast_in_dim3A_535 = vector.shape_cast %squeeze3A_534 : vector<128xf32> to vector<1x128xf32>
    %sub3A_536 = vector.broadcast %broadcast_in_dim3A_535 : vector<1x128xf32> to vector<16x128xf32>
    %sub3A_537 = vector.broadcast %get3A_4 : vector<16x1xf32> to vector<16x128xf32>
    %sub3A_538 = arith.subf %sub3A_536, %sub3A_537 : vector<16x128xf32>
    %abs3A_539 = math.absf %sub3A_538 : vector<16x128xf32>
    %sub3A_540 = arith.constant 1.000000e+00 : f32
    %sub3A_541 = vector.broadcast %sub3A_540 : f32 to vector<16x128xf32>
    %sub3A_542 = arith.subf %sub3A_541, %abs3A_539 : vector<16x128xf32>
    %max3A_543 = arith.constant 0.000000e+00 : f32
    %max3A_544 = vector.broadcast %max3A_543 : f32 to vector<16x128xf32>
    %max3A_545 = arith.maximumf %max3A_544, %sub3A_542 : vector<16x128xf32>
    %broadcast_in_dim3A_546 = vector.shape_cast %squeeze3A_532 : vector<128xf32> to vector<1x128xf32>
    %sub3A_547 = vector.broadcast %broadcast_in_dim3A_546 : vector<1x128xf32> to vector<64x128xf32>
    %sub3A_548 = vector.broadcast %get3A_7 : vector<64x1xf32> to vector<64x128xf32>
    %sub3A_549 = arith.subf %sub3A_547, %sub3A_548 : vector<64x128xf32>
    %abs3A_550 = math.absf %sub3A_549 : vector<64x128xf32>
    %sub3A_551 = arith.constant 1.000000e+00 : f32
    %sub3A_552 = vector.broadcast %sub3A_551 : f32 to vector<64x128xf32>
    %sub3A_553 = arith.subf %sub3A_552, %abs3A_550 : vector<64x128xf32>
    %max3A_554 = arith.constant 0.000000e+00 : f32
    %max3A_555 = vector.broadcast %max3A_554 : f32 to vector<64x128xf32>
    %max3A_556 = arith.maximumf %max3A_555, %sub3A_553 : vector<64x128xf32>
    %slice3A_557 = vector.extract_strided_slice %get3A_1 {offsets = [256, 0], sizes = [16, 64], strides = [1, 1]} : vector<512x64xf32> to vector<16x64xf32>
    %dot_general3A_558 = arith.constant dense<0.000000e+00> : vector<64x128xf32>
    %dot_general3A_559 = tpu.matmul %slice3A_557, %max3A_545, %dot_general3A_558 {dimension_numbers = #tpu.dot_dimension_numbers<[0], [0], [1], [1], [0, 1, 1, 1], [], []>, transpose_lhs_hint = false} : vector<16x64xf32>, vector<16x128xf32>, vector<64x128xf32> -> vector<64x128xf32>
    %mul3A_560 = arith.mulf %dot_general3A_559, %max3A_556 : vector<64x128xf32>
    %dot_general3A_561 = arith.constant dense<0.000000e+00> : vector<4x128xf32>
    %dot_general3A_562 = tpu.matmul %get3A_10, %mul3A_560, %dot_general3A_561 {dimension_numbers = #tpu.dot_dimension_numbers<[1], [0], [0], [1], [0, 0, 1, 1], [], []>, transpose_lhs_hint = false} : vector<4x64xf32>, vector<64x128xf32>, vector<4x128xf32> -> vector<4x128xf32>
    %slice3A_563 = vector.extract_strided_slice %add3A_25 {offsets = [17, 0], sizes = [1, 128], strides = [1, 1]} : vector<32x256xf32> to vector<1x128xf32>
    %squeeze3A_564 = vector.shape_cast %slice3A_563 : vector<1x128xf32> to vector<128xf32>
    %slice3A_565 = vector.extract_strided_slice %add3A_25 {offsets = [17, 128], sizes = [1, 128], strides = [1, 1]} : vector<32x256xf32> to vector<1x128xf32>
    %squeeze3A_566 = vector.shape_cast %slice3A_565 : vector<1x128xf32> to vector<128xf32>
    %broadcast_in_dim3A_567 = vector.shape_cast %squeeze3A_566 : vector<128xf32> to vector<1x128xf32>
    %sub3A_568 = vector.broadcast %broadcast_in_dim3A_567 : vector<1x128xf32> to vector<16x128xf32>
    %sub3A_569 = vector.broadcast %get3A_4 : vector<16x1xf32> to vector<16x128xf32>
    %sub3A_570 = arith.subf %sub3A_568, %sub3A_569 : vector<16x128xf32>
    %abs3A_571 = math.absf %sub3A_570 : vector<16x128xf32>
    %sub3A_572 = arith.constant 1.000000e+00 : f32
    %sub3A_573 = vector.broadcast %sub3A_572 : f32 to vector<16x128xf32>
    %sub3A_574 = arith.subf %sub3A_573, %abs3A_571 : vector<16x128xf32>
    %max3A_575 = arith.constant 0.000000e+00 : f32
    %max3A_576 = vector.broadcast %max3A_575 : f32 to vector<16x128xf32>
    %max3A_577 = arith.maximumf %max3A_576, %sub3A_574 : vector<16x128xf32>
    %broadcast_in_dim3A_578 = vector.shape_cast %squeeze3A_564 : vector<128xf32> to vector<1x128xf32>
    %sub3A_579 = vector.broadcast %broadcast_in_dim3A_578 : vector<1x128xf32> to vector<64x128xf32>
    %sub3A_580 = vector.broadcast %get3A_7 : vector<64x1xf32> to vector<64x128xf32>
    %sub3A_581 = arith.subf %sub3A_579, %sub3A_580 : vector<64x128xf32>
    %abs3A_582 = math.absf %sub3A_581 : vector<64x128xf32>
    %sub3A_583 = arith.constant 1.000000e+00 : f32
    %sub3A_584 = vector.broadcast %sub3A_583 : f32 to vector<64x128xf32>
    %sub3A_585 = arith.subf %sub3A_584, %abs3A_582 : vector<64x128xf32>
    %max3A_586 = arith.constant 0.000000e+00 : f32
    %max3A_587 = vector.broadcast %max3A_586 : f32 to vector<64x128xf32>
    %max3A_588 = arith.maximumf %max3A_587, %sub3A_585 : vector<64x128xf32>
    %slice3A_589 = vector.extract_strided_slice %get3A_1 {offsets = [272, 0], sizes = [16, 64], strides = [1, 1]} : vector<512x64xf32> to vector<16x64xf32>
    %dot_general3A_590 = arith.constant dense<0.000000e+00> : vector<64x128xf32>
    %dot_general3A_591 = tpu.matmul %slice3A_589, %max3A_577, %dot_general3A_590 {dimension_numbers = #tpu.dot_dimension_numbers<[0], [0], [1], [1], [0, 1, 1, 1], [], []>, transpose_lhs_hint = false} : vector<16x64xf32>, vector<16x128xf32>, vector<64x128xf32> -> vector<64x128xf32>
    %mul3A_592 = arith.mulf %dot_general3A_591, %max3A_588 : vector<64x128xf32>
    %dot_general3A_593 = arith.constant dense<0.000000e+00> : vector<4x128xf32>
    %dot_general3A_594 = tpu.matmul %get3A_10, %mul3A_592, %dot_general3A_593 {dimension_numbers = #tpu.dot_dimension_numbers<[1], [0], [0], [1], [0, 0, 1, 1], [], []>, transpose_lhs_hint = false} : vector<4x64xf32>, vector<64x128xf32>, vector<4x128xf32> -> vector<4x128xf32>
    %slice3A_595 = vector.extract_strided_slice %add3A_25 {offsets = [18, 0], sizes = [1, 128], strides = [1, 1]} : vector<32x256xf32> to vector<1x128xf32>
    %squeeze3A_596 = vector.shape_cast %slice3A_595 : vector<1x128xf32> to vector<128xf32>
    %slice3A_597 = vector.extract_strided_slice %add3A_25 {offsets = [18, 128], sizes = [1, 128], strides = [1, 1]} : vector<32x256xf32> to vector<1x128xf32>
    %squeeze3A_598 = vector.shape_cast %slice3A_597 : vector<1x128xf32> to vector<128xf32>
    %broadcast_in_dim3A_599 = vector.shape_cast %squeeze3A_598 : vector<128xf32> to vector<1x128xf32>
    %sub3A_600 = vector.broadcast %broadcast_in_dim3A_599 : vector<1x128xf32> to vector<16x128xf32>
    %sub3A_601 = vector.broadcast %get3A_4 : vector<16x1xf32> to vector<16x128xf32>
    %sub3A_602 = arith.subf %sub3A_600, %sub3A_601 : vector<16x128xf32>
    %abs3A_603 = math.absf %sub3A_602 : vector<16x128xf32>
    %sub3A_604 = arith.constant 1.000000e+00 : f32
    %sub3A_605 = vector.broadcast %sub3A_604 : f32 to vector<16x128xf32>
    %sub3A_606 = arith.subf %sub3A_605, %abs3A_603 : vector<16x128xf32>
    %max3A_607 = arith.constant 0.000000e+00 : f32
    %max3A_608 = vector.broadcast %max3A_607 : f32 to vector<16x128xf32>
    %max3A_609 = arith.maximumf %max3A_608, %sub3A_606 : vector<16x128xf32>
    %broadcast_in_dim3A_610 = vector.shape_cast %squeeze3A_596 : vector<128xf32> to vector<1x128xf32>
    %sub3A_611 = vector.broadcast %broadcast_in_dim3A_610 : vector<1x128xf32> to vector<64x128xf32>
    %sub3A_612 = vector.broadcast %get3A_7 : vector<64x1xf32> to vector<64x128xf32>
    %sub3A_613 = arith.subf %sub3A_611, %sub3A_612 : vector<64x128xf32>
    %abs3A_614 = math.absf %sub3A_613 : vector<64x128xf32>
    %sub3A_615 = arith.constant 1.000000e+00 : f32
    %sub3A_616 = vector.broadcast %sub3A_615 : f32 to vector<64x128xf32>
    %sub3A_617 = arith.subf %sub3A_616, %abs3A_614 : vector<64x128xf32>
    %max3A_618 = arith.constant 0.000000e+00 : f32
    %max3A_619 = vector.broadcast %max3A_618 : f32 to vector<64x128xf32>
    %max3A_620 = arith.maximumf %max3A_619, %sub3A_617 : vector<64x128xf32>
    %slice3A_621 = vector.extract_strided_slice %get3A_1 {offsets = [288, 0], sizes = [16, 64], strides = [1, 1]} : vector<512x64xf32> to vector<16x64xf32>
    %dot_general3A_622 = arith.constant dense<0.000000e+00> : vector<64x128xf32>
    %dot_general3A_623 = tpu.matmul %slice3A_621, %max3A_609, %dot_general3A_622 {dimension_numbers = #tpu.dot_dimension_numbers<[0], [0], [1], [1], [0, 1, 1, 1], [], []>, transpose_lhs_hint = false} : vector<16x64xf32>, vector<16x128xf32>, vector<64x128xf32> -> vector<64x128xf32>
    %mul3A_624 = arith.mulf %dot_general3A_623, %max3A_620 : vector<64x128xf32>
    %dot_general3A_625 = arith.constant dense<0.000000e+00> : vector<4x128xf32>
    %dot_general3A_626 = tpu.matmul %get3A_10, %mul3A_624, %dot_general3A_625 {dimension_numbers = #tpu.dot_dimension_numbers<[1], [0], [0], [1], [0, 0, 1, 1], [], []>, transpose_lhs_hint = false} : vector<4x64xf32>, vector<64x128xf32>, vector<4x128xf32> -> vector<4x128xf32>
    %slice3A_627 = vector.extract_strided_slice %add3A_25 {offsets = [19, 0], sizes = [1, 128], strides = [1, 1]} : vector<32x256xf32> to vector<1x128xf32>
    %squeeze3A_628 = vector.shape_cast %slice3A_627 : vector<1x128xf32> to vector<128xf32>
    %slice3A_629 = vector.extract_strided_slice %add3A_25 {offsets = [19, 128], sizes = [1, 128], strides = [1, 1]} : vector<32x256xf32> to vector<1x128xf32>
    %squeeze3A_630 = vector.shape_cast %slice3A_629 : vector<1x128xf32> to vector<128xf32>
    %broadcast_in_dim3A_631 = vector.shape_cast %squeeze3A_630 : vector<128xf32> to vector<1x128xf32>
    %sub3A_632 = vector.broadcast %broadcast_in_dim3A_631 : vector<1x128xf32> to vector<16x128xf32>
    %sub3A_633 = vector.broadcast %get3A_4 : vector<16x1xf32> to vector<16x128xf32>
    %sub3A_634 = arith.subf %sub3A_632, %sub3A_633 : vector<16x128xf32>
    %abs3A_635 = math.absf %sub3A_634 : vector<16x128xf32>
    %sub3A_636 = arith.constant 1.000000e+00 : f32
    %sub3A_637 = vector.broadcast %sub3A_636 : f32 to vector<16x128xf32>
    %sub3A_638 = arith.subf %sub3A_637, %abs3A_635 : vector<16x128xf32>
    %max3A_639 = arith.constant 0.000000e+00 : f32
    %max3A_640 = vector.broadcast %max3A_639 : f32 to vector<16x128xf32>
    %max3A_641 = arith.maximumf %max3A_640, %sub3A_638 : vector<16x128xf32>
    %broadcast_in_dim3A_642 = vector.shape_cast %squeeze3A_628 : vector<128xf32> to vector<1x128xf32>
    %sub3A_643 = vector.broadcast %broadcast_in_dim3A_642 : vector<1x128xf32> to vector<64x128xf32>
    %sub3A_644 = vector.broadcast %get3A_7 : vector<64x1xf32> to vector<64x128xf32>
    %sub3A_645 = arith.subf %sub3A_643, %sub3A_644 : vector<64x128xf32>
    %abs3A_646 = math.absf %sub3A_645 : vector<64x128xf32>
    %sub3A_647 = arith.constant 1.000000e+00 : f32
    %sub3A_648 = vector.broadcast %sub3A_647 : f32 to vector<64x128xf32>
    %sub3A_649 = arith.subf %sub3A_648, %abs3A_646 : vector<64x128xf32>
    %max3A_650 = arith.constant 0.000000e+00 : f32
    %max3A_651 = vector.broadcast %max3A_650 : f32 to vector<64x128xf32>
    %max3A_652 = arith.maximumf %max3A_651, %sub3A_649 : vector<64x128xf32>
    %slice3A_653 = vector.extract_strided_slice %get3A_1 {offsets = [304, 0], sizes = [16, 64], strides = [1, 1]} : vector<512x64xf32> to vector<16x64xf32>
    %dot_general3A_654 = arith.constant dense<0.000000e+00> : vector<64x128xf32>
    %dot_general3A_655 = tpu.matmul %slice3A_653, %max3A_641, %dot_general3A_654 {dimension_numbers = #tpu.dot_dimension_numbers<[0], [0], [1], [1], [0, 1, 1, 1], [], []>, transpose_lhs_hint = false} : vector<16x64xf32>, vector<16x128xf32>, vector<64x128xf32> -> vector<64x128xf32>
    %mul3A_656 = arith.mulf %dot_general3A_655, %max3A_652 : vector<64x128xf32>
    %dot_general3A_657 = arith.constant dense<0.000000e+00> : vector<4x128xf32>
    %dot_general3A_658 = tpu.matmul %get3A_10, %mul3A_656, %dot_general3A_657 {dimension_numbers = #tpu.dot_dimension_numbers<[1], [0], [0], [1], [0, 0, 1, 1], [], []>, transpose_lhs_hint = false} : vector<4x64xf32>, vector<64x128xf32>, vector<4x128xf32> -> vector<4x128xf32>
    %slice3A_659 = vector.extract_strided_slice %add3A_25 {offsets = [20, 0], sizes = [1, 128], strides = [1, 1]} : vector<32x256xf32> to vector<1x128xf32>
    %squeeze3A_660 = vector.shape_cast %slice3A_659 : vector<1x128xf32> to vector<128xf32>
    %slice3A_661 = vector.extract_strided_slice %add3A_25 {offsets = [20, 128], sizes = [1, 128], strides = [1, 1]} : vector<32x256xf32> to vector<1x128xf32>
    %squeeze3A_662 = vector.shape_cast %slice3A_661 : vector<1x128xf32> to vector<128xf32>
    %broadcast_in_dim3A_663 = vector.shape_cast %squeeze3A_662 : vector<128xf32> to vector<1x128xf32>
    %sub3A_664 = vector.broadcast %broadcast_in_dim3A_663 : vector<1x128xf32> to vector<16x128xf32>
    %sub3A_665 = vector.broadcast %get3A_4 : vector<16x1xf32> to vector<16x128xf32>
    %sub3A_666 = arith.subf %sub3A_664, %sub3A_665 : vector<16x128xf32>
    %abs3A_667 = math.absf %sub3A_666 : vector<16x128xf32>
    %sub3A_668 = arith.constant 1.000000e+00 : f32
    %sub3A_669 = vector.broadcast %sub3A_668 : f32 to vector<16x128xf32>
    %sub3A_670 = arith.subf %sub3A_669, %abs3A_667 : vector<16x128xf32>
    %max3A_671 = arith.constant 0.000000e+00 : f32
    %max3A_672 = vector.broadcast %max3A_671 : f32 to vector<16x128xf32>
    %max3A_673 = arith.maximumf %max3A_672, %sub3A_670 : vector<16x128xf32>
    %broadcast_in_dim3A_674 = vector.shape_cast %squeeze3A_660 : vector<128xf32> to vector<1x128xf32>
    %sub3A_675 = vector.broadcast %broadcast_in_dim3A_674 : vector<1x128xf32> to vector<64x128xf32>
    %sub3A_676 = vector.broadcast %get3A_7 : vector<64x1xf32> to vector<64x128xf32>
    %sub3A_677 = arith.subf %sub3A_675, %sub3A_676 : vector<64x128xf32>
    %abs3A_678 = math.absf %sub3A_677 : vector<64x128xf32>
    %sub3A_679 = arith.constant 1.000000e+00 : f32
    %sub3A_680 = vector.broadcast %sub3A_679 : f32 to vector<64x128xf32>
    %sub3A_681 = arith.subf %sub3A_680, %abs3A_678 : vector<64x128xf32>
    %max3A_682 = arith.constant 0.000000e+00 : f32
    %max3A_683 = vector.broadcast %max3A_682 : f32 to vector<64x128xf32>
    %max3A_684 = arith.maximumf %max3A_683, %sub3A_681 : vector<64x128xf32>
    %slice3A_685 = vector.extract_strided_slice %get3A_1 {offsets = [320, 0], sizes = [16, 64], strides = [1, 1]} : vector<512x64xf32> to vector<16x64xf32>
    %dot_general3A_686 = arith.constant dense<0.000000e+00> : vector<64x128xf32>
    %dot_general3A_687 = tpu.matmul %slice3A_685, %max3A_673, %dot_general3A_686 {dimension_numbers = #tpu.dot_dimension_numbers<[0], [0], [1], [1], [0, 1, 1, 1], [], []>, transpose_lhs_hint = false} : vector<16x64xf32>, vector<16x128xf32>, vector<64x128xf32> -> vector<64x128xf32>
    %mul3A_688 = arith.mulf %dot_general3A_687, %max3A_684 : vector<64x128xf32>
    %dot_general3A_689 = arith.constant dense<0.000000e+00> : vector<4x128xf32>
    %dot_general3A_690 = tpu.matmul %get3A_10, %mul3A_688, %dot_general3A_689 {dimension_numbers = #tpu.dot_dimension_numbers<[1], [0], [0], [1], [0, 0, 1, 1], [], []>, transpose_lhs_hint = false} : vector<4x64xf32>, vector<64x128xf32>, vector<4x128xf32> -> vector<4x128xf32>
    %slice3A_691 = vector.extract_strided_slice %add3A_25 {offsets = [21, 0], sizes = [1, 128], strides = [1, 1]} : vector<32x256xf32> to vector<1x128xf32>
    %squeeze3A_692 = vector.shape_cast %slice3A_691 : vector<1x128xf32> to vector<128xf32>
    %slice3A_693 = vector.extract_strided_slice %add3A_25 {offsets = [21, 128], sizes = [1, 128], strides = [1, 1]} : vector<32x256xf32> to vector<1x128xf32>
    %squeeze3A_694 = vector.shape_cast %slice3A_693 : vector<1x128xf32> to vector<128xf32>
    %broadcast_in_dim3A_695 = vector.shape_cast %squeeze3A_694 : vector<128xf32> to vector<1x128xf32>
    %sub3A_696 = vector.broadcast %broadcast_in_dim3A_695 : vector<1x128xf32> to vector<16x128xf32>
    %sub3A_697 = vector.broadcast %get3A_4 : vector<16x1xf32> to vector<16x128xf32>
    %sub3A_698 = arith.subf %sub3A_696, %sub3A_697 : vector<16x128xf32>
    %abs3A_699 = math.absf %sub3A_698 : vector<16x128xf32>
    %sub3A_700 = arith.constant 1.000000e+00 : f32
    %sub3A_701 = vector.broadcast %sub3A_700 : f32 to vector<16x128xf32>
    %sub3A_702 = arith.subf %sub3A_701, %abs3A_699 : vector<16x128xf32>
    %max3A_703 = arith.constant 0.000000e+00 : f32
    %max3A_704 = vector.broadcast %max3A_703 : f32 to vector<16x128xf32>
    %max3A_705 = arith.maximumf %max3A_704, %sub3A_702 : vector<16x128xf32>
    %broadcast_in_dim3A_706 = vector.shape_cast %squeeze3A_692 : vector<128xf32> to vector<1x128xf32>
    %sub3A_707 = vector.broadcast %broadcast_in_dim3A_706 : vector<1x128xf32> to vector<64x128xf32>
    %sub3A_708 = vector.broadcast %get3A_7 : vector<64x1xf32> to vector<64x128xf32>
    %sub3A_709 = arith.subf %sub3A_707, %sub3A_708 : vector<64x128xf32>
    %abs3A_710 = math.absf %sub3A_709 : vector<64x128xf32>
    %sub3A_711 = arith.constant 1.000000e+00 : f32
    %sub3A_712 = vector.broadcast %sub3A_711 : f32 to vector<64x128xf32>
    %sub3A_713 = arith.subf %sub3A_712, %abs3A_710 : vector<64x128xf32>
    %max3A_714 = arith.constant 0.000000e+00 : f32
    %max3A_715 = vector.broadcast %max3A_714 : f32 to vector<64x128xf32>
    %max3A_716 = arith.maximumf %max3A_715, %sub3A_713 : vector<64x128xf32>
    %slice3A_717 = vector.extract_strided_slice %get3A_1 {offsets = [336, 0], sizes = [16, 64], strides = [1, 1]} : vector<512x64xf32> to vector<16x64xf32>
    %dot_general3A_718 = arith.constant dense<0.000000e+00> : vector<64x128xf32>
    %dot_general3A_719 = tpu.matmul %slice3A_717, %max3A_705, %dot_general3A_718 {dimension_numbers = #tpu.dot_dimension_numbers<[0], [0], [1], [1], [0, 1, 1, 1], [], []>, transpose_lhs_hint = false} : vector<16x64xf32>, vector<16x128xf32>, vector<64x128xf32> -> vector<64x128xf32>
    %mul3A_720 = arith.mulf %dot_general3A_719, %max3A_716 : vector<64x128xf32>
    %dot_general3A_721 = arith.constant dense<0.000000e+00> : vector<4x128xf32>
    %dot_general3A_722 = tpu.matmul %get3A_10, %mul3A_720, %dot_general3A_721 {dimension_numbers = #tpu.dot_dimension_numbers<[1], [0], [0], [1], [0, 0, 1, 1], [], []>, transpose_lhs_hint = false} : vector<4x64xf32>, vector<64x128xf32>, vector<4x128xf32> -> vector<4x128xf32>
    %slice3A_723 = vector.extract_strided_slice %add3A_25 {offsets = [22, 0], sizes = [1, 128], strides = [1, 1]} : vector<32x256xf32> to vector<1x128xf32>
    %squeeze3A_724 = vector.shape_cast %slice3A_723 : vector<1x128xf32> to vector<128xf32>
    %slice3A_725 = vector.extract_strided_slice %add3A_25 {offsets = [22, 128], sizes = [1, 128], strides = [1, 1]} : vector<32x256xf32> to vector<1x128xf32>
    %squeeze3A_726 = vector.shape_cast %slice3A_725 : vector<1x128xf32> to vector<128xf32>
    %broadcast_in_dim3A_727 = vector.shape_cast %squeeze3A_726 : vector<128xf32> to vector<1x128xf32>
    %sub3A_728 = vector.broadcast %broadcast_in_dim3A_727 : vector<1x128xf32> to vector<16x128xf32>
    %sub3A_729 = vector.broadcast %get3A_4 : vector<16x1xf32> to vector<16x128xf32>
    %sub3A_730 = arith.subf %sub3A_728, %sub3A_729 : vector<16x128xf32>
    %abs3A_731 = math.absf %sub3A_730 : vector<16x128xf32>
    %sub3A_732 = arith.constant 1.000000e+00 : f32
    %sub3A_733 = vector.broadcast %sub3A_732 : f32 to vector<16x128xf32>
    %sub3A_734 = arith.subf %sub3A_733, %abs3A_731 : vector<16x128xf32>
    %max3A_735 = arith.constant 0.000000e+00 : f32
    %max3A_736 = vector.broadcast %max3A_735 : f32 to vector<16x128xf32>
    %max3A_737 = arith.maximumf %max3A_736, %sub3A_734 : vector<16x128xf32>
    %broadcast_in_dim3A_738 = vector.shape_cast %squeeze3A_724 : vector<128xf32> to vector<1x128xf32>
    %sub3A_739 = vector.broadcast %broadcast_in_dim3A_738 : vector<1x128xf32> to vector<64x128xf32>
    %sub3A_740 = vector.broadcast %get3A_7 : vector<64x1xf32> to vector<64x128xf32>
    %sub3A_741 = arith.subf %sub3A_739, %sub3A_740 : vector<64x128xf32>
    %abs3A_742 = math.absf %sub3A_741 : vector<64x128xf32>
    %sub3A_743 = arith.constant 1.000000e+00 : f32
    %sub3A_744 = vector.broadcast %sub3A_743 : f32 to vector<64x128xf32>
    %sub3A_745 = arith.subf %sub3A_744, %abs3A_742 : vector<64x128xf32>
    %max3A_746 = arith.constant 0.000000e+00 : f32
    %max3A_747 = vector.broadcast %max3A_746 : f32 to vector<64x128xf32>
    %max3A_748 = arith.maximumf %max3A_747, %sub3A_745 : vector<64x128xf32>
    %slice3A_749 = vector.extract_strided_slice %get3A_1 {offsets = [352, 0], sizes = [16, 64], strides = [1, 1]} : vector<512x64xf32> to vector<16x64xf32>
    %dot_general3A_750 = arith.constant dense<0.000000e+00> : vector<64x128xf32>
    %dot_general3A_751 = tpu.matmul %slice3A_749, %max3A_737, %dot_general3A_750 {dimension_numbers = #tpu.dot_dimension_numbers<[0], [0], [1], [1], [0, 1, 1, 1], [], []>, transpose_lhs_hint = false} : vector<16x64xf32>, vector<16x128xf32>, vector<64x128xf32> -> vector<64x128xf32>
    %mul3A_752 = arith.mulf %dot_general3A_751, %max3A_748 : vector<64x128xf32>
    %dot_general3A_753 = arith.constant dense<0.000000e+00> : vector<4x128xf32>
    %dot_general3A_754 = tpu.matmul %get3A_10, %mul3A_752, %dot_general3A_753 {dimension_numbers = #tpu.dot_dimension_numbers<[1], [0], [0], [1], [0, 0, 1, 1], [], []>, transpose_lhs_hint = false} : vector<4x64xf32>, vector<64x128xf32>, vector<4x128xf32> -> vector<4x128xf32>
    %slice3A_755 = vector.extract_strided_slice %add3A_25 {offsets = [23, 0], sizes = [1, 128], strides = [1, 1]} : vector<32x256xf32> to vector<1x128xf32>
    %squeeze3A_756 = vector.shape_cast %slice3A_755 : vector<1x128xf32> to vector<128xf32>
    %slice3A_757 = vector.extract_strided_slice %add3A_25 {offsets = [23, 128], sizes = [1, 128], strides = [1, 1]} : vector<32x256xf32> to vector<1x128xf32>
    %squeeze3A_758 = vector.shape_cast %slice3A_757 : vector<1x128xf32> to vector<128xf32>
    %broadcast_in_dim3A_759 = vector.shape_cast %squeeze3A_758 : vector<128xf32> to vector<1x128xf32>
    %sub3A_760 = vector.broadcast %broadcast_in_dim3A_759 : vector<1x128xf32> to vector<16x128xf32>
    %sub3A_761 = vector.broadcast %get3A_4 : vector<16x1xf32> to vector<16x128xf32>
    %sub3A_762 = arith.subf %sub3A_760, %sub3A_761 : vector<16x128xf32>
    %abs3A_763 = math.absf %sub3A_762 : vector<16x128xf32>
    %sub3A_764 = arith.constant 1.000000e+00 : f32
    %sub3A_765 = vector.broadcast %sub3A_764 : f32 to vector<16x128xf32>
    %sub3A_766 = arith.subf %sub3A_765, %abs3A_763 : vector<16x128xf32>
    %max3A_767 = arith.constant 0.000000e+00 : f32
    %max3A_768 = vector.broadcast %max3A_767 : f32 to vector<16x128xf32>
    %max3A_769 = arith.maximumf %max3A_768, %sub3A_766 : vector<16x128xf32>
    %broadcast_in_dim3A_770 = vector.shape_cast %squeeze3A_756 : vector<128xf32> to vector<1x128xf32>
    %sub3A_771 = vector.broadcast %broadcast_in_dim3A_770 : vector<1x128xf32> to vector<64x128xf32>
    %sub3A_772 = vector.broadcast %get3A_7 : vector<64x1xf32> to vector<64x128xf32>
    %sub3A_773 = arith.subf %sub3A_771, %sub3A_772 : vector<64x128xf32>
    %abs3A_774 = math.absf %sub3A_773 : vector<64x128xf32>
    %sub3A_775 = arith.constant 1.000000e+00 : f32
    %sub3A_776 = vector.broadcast %sub3A_775 : f32 to vector<64x128xf32>
    %sub3A_777 = arith.subf %sub3A_776, %abs3A_774 : vector<64x128xf32>
    %max3A_778 = arith.constant 0.000000e+00 : f32
    %max3A_779 = vector.broadcast %max3A_778 : f32 to vector<64x128xf32>
    %max3A_780 = arith.maximumf %max3A_779, %sub3A_777 : vector<64x128xf32>
    %slice3A_781 = vector.extract_strided_slice %get3A_1 {offsets = [368, 0], sizes = [16, 64], strides = [1, 1]} : vector<512x64xf32> to vector<16x64xf32>
    %dot_general3A_782 = arith.constant dense<0.000000e+00> : vector<64x128xf32>
    %dot_general3A_783 = tpu.matmul %slice3A_781, %max3A_769, %dot_general3A_782 {dimension_numbers = #tpu.dot_dimension_numbers<[0], [0], [1], [1], [0, 1, 1, 1], [], []>, transpose_lhs_hint = false} : vector<16x64xf32>, vector<16x128xf32>, vector<64x128xf32> -> vector<64x128xf32>
    %mul3A_784 = arith.mulf %dot_general3A_783, %max3A_780 : vector<64x128xf32>
    %dot_general3A_785 = arith.constant dense<0.000000e+00> : vector<4x128xf32>
    %dot_general3A_786 = tpu.matmul %get3A_10, %mul3A_784, %dot_general3A_785 {dimension_numbers = #tpu.dot_dimension_numbers<[1], [0], [0], [1], [0, 0, 1, 1], [], []>, transpose_lhs_hint = false} : vector<4x64xf32>, vector<64x128xf32>, vector<4x128xf32> -> vector<4x128xf32>
    %slice3A_787 = vector.extract_strided_slice %add3A_25 {offsets = [24, 0], sizes = [1, 128], strides = [1, 1]} : vector<32x256xf32> to vector<1x128xf32>
    %squeeze3A_788 = vector.shape_cast %slice3A_787 : vector<1x128xf32> to vector<128xf32>
    %slice3A_789 = vector.extract_strided_slice %add3A_25 {offsets = [24, 128], sizes = [1, 128], strides = [1, 1]} : vector<32x256xf32> to vector<1x128xf32>
    %squeeze3A_790 = vector.shape_cast %slice3A_789 : vector<1x128xf32> to vector<128xf32>
    %broadcast_in_dim3A_791 = vector.shape_cast %squeeze3A_790 : vector<128xf32> to vector<1x128xf32>
    %sub3A_792 = vector.broadcast %broadcast_in_dim3A_791 : vector<1x128xf32> to vector<16x128xf32>
    %sub3A_793 = vector.broadcast %get3A_4 : vector<16x1xf32> to vector<16x128xf32>
    %sub3A_794 = arith.subf %sub3A_792, %sub3A_793 : vector<16x128xf32>
    %abs3A_795 = math.absf %sub3A_794 : vector<16x128xf32>
    %sub3A_796 = arith.constant 1.000000e+00 : f32
    %sub3A_797 = vector.broadcast %sub3A_796 : f32 to vector<16x128xf32>
    %sub3A_798 = arith.subf %sub3A_797, %abs3A_795 : vector<16x128xf32>
    %max3A_799 = arith.constant 0.000000e+00 : f32
    %max3A_800 = vector.broadcast %max3A_799 : f32 to vector<16x128xf32>
    %max3A_801 = arith.maximumf %max3A_800, %sub3A_798 : vector<16x128xf32>
    %broadcast_in_dim3A_802 = vector.shape_cast %squeeze3A_788 : vector<128xf32> to vector<1x128xf32>
    %sub3A_803 = vector.broadcast %broadcast_in_dim3A_802 : vector<1x128xf32> to vector<64x128xf32>
    %sub3A_804 = vector.broadcast %get3A_7 : vector<64x1xf32> to vector<64x128xf32>
    %sub3A_805 = arith.subf %sub3A_803, %sub3A_804 : vector<64x128xf32>
    %abs3A_806 = math.absf %sub3A_805 : vector<64x128xf32>
    %sub3A_807 = arith.constant 1.000000e+00 : f32
    %sub3A_808 = vector.broadcast %sub3A_807 : f32 to vector<64x128xf32>
    %sub3A_809 = arith.subf %sub3A_808, %abs3A_806 : vector<64x128xf32>
    %max3A_810 = arith.constant 0.000000e+00 : f32
    %max3A_811 = vector.broadcast %max3A_810 : f32 to vector<64x128xf32>
    %max3A_812 = arith.maximumf %max3A_811, %sub3A_809 : vector<64x128xf32>
    %slice3A_813 = vector.extract_strided_slice %get3A_1 {offsets = [384, 0], sizes = [16, 64], strides = [1, 1]} : vector<512x64xf32> to vector<16x64xf32>
    %dot_general3A_814 = arith.constant dense<0.000000e+00> : vector<64x128xf32>
    %dot_general3A_815 = tpu.matmul %slice3A_813, %max3A_801, %dot_general3A_814 {dimension_numbers = #tpu.dot_dimension_numbers<[0], [0], [1], [1], [0, 1, 1, 1], [], []>, transpose_lhs_hint = false} : vector<16x64xf32>, vector<16x128xf32>, vector<64x128xf32> -> vector<64x128xf32>
    %mul3A_816 = arith.mulf %dot_general3A_815, %max3A_812 : vector<64x128xf32>
    %dot_general3A_817 = arith.constant dense<0.000000e+00> : vector<4x128xf32>
    %dot_general3A_818 = tpu.matmul %get3A_10, %mul3A_816, %dot_general3A_817 {dimension_numbers = #tpu.dot_dimension_numbers<[1], [0], [0], [1], [0, 0, 1, 1], [], []>, transpose_lhs_hint = false} : vector<4x64xf32>, vector<64x128xf32>, vector<4x128xf32> -> vector<4x128xf32>
    %slice3A_819 = vector.extract_strided_slice %add3A_25 {offsets = [25, 0], sizes = [1, 128], strides = [1, 1]} : vector<32x256xf32> to vector<1x128xf32>
    %squeeze3A_820 = vector.shape_cast %slice3A_819 : vector<1x128xf32> to vector<128xf32>
    %slice3A_821 = vector.extract_strided_slice %add3A_25 {offsets = [25, 128], sizes = [1, 128], strides = [1, 1]} : vector<32x256xf32> to vector<1x128xf32>
    %squeeze3A_822 = vector.shape_cast %slice3A_821 : vector<1x128xf32> to vector<128xf32>
    %broadcast_in_dim3A_823 = vector.shape_cast %squeeze3A_822 : vector<128xf32> to vector<1x128xf32>
    %sub3A_824 = vector.broadcast %broadcast_in_dim3A_823 : vector<1x128xf32> to vector<16x128xf32>
    %sub3A_825 = vector.broadcast %get3A_4 : vector<16x1xf32> to vector<16x128xf32>
    %sub3A_826 = arith.subf %sub3A_824, %sub3A_825 : vector<16x128xf32>
    %abs3A_827 = math.absf %sub3A_826 : vector<16x128xf32>
    %sub3A_828 = arith.constant 1.000000e+00 : f32
    %sub3A_829 = vector.broadcast %sub3A_828 : f32 to vector<16x128xf32>
    %sub3A_830 = arith.subf %sub3A_829, %abs3A_827 : vector<16x128xf32>
    %max3A_831 = arith.constant 0.000000e+00 : f32
    %max3A_832 = vector.broadcast %max3A_831 : f32 to vector<16x128xf32>
    %max3A_833 = arith.maximumf %max3A_832, %sub3A_830 : vector<16x128xf32>
    %broadcast_in_dim3A_834 = vector.shape_cast %squeeze3A_820 : vector<128xf32> to vector<1x128xf32>
    %sub3A_835 = vector.broadcast %broadcast_in_dim3A_834 : vector<1x128xf32> to vector<64x128xf32>
    %sub3A_836 = vector.broadcast %get3A_7 : vector<64x1xf32> to vector<64x128xf32>
    %sub3A_837 = arith.subf %sub3A_835, %sub3A_836 : vector<64x128xf32>
    %abs3A_838 = math.absf %sub3A_837 : vector<64x128xf32>
    %sub3A_839 = arith.constant 1.000000e+00 : f32
    %sub3A_840 = vector.broadcast %sub3A_839 : f32 to vector<64x128xf32>
    %sub3A_841 = arith.subf %sub3A_840, %abs3A_838 : vector<64x128xf32>
    %max3A_842 = arith.constant 0.000000e+00 : f32
    %max3A_843 = vector.broadcast %max3A_842 : f32 to vector<64x128xf32>
    %max3A_844 = arith.maximumf %max3A_843, %sub3A_841 : vector<64x128xf32>
    %slice3A_845 = vector.extract_strided_slice %get3A_1 {offsets = [400, 0], sizes = [16, 64], strides = [1, 1]} : vector<512x64xf32> to vector<16x64xf32>
    %dot_general3A_846 = arith.constant dense<0.000000e+00> : vector<64x128xf32>
    %dot_general3A_847 = tpu.matmul %slice3A_845, %max3A_833, %dot_general3A_846 {dimension_numbers = #tpu.dot_dimension_numbers<[0], [0], [1], [1], [0, 1, 1, 1], [], []>, transpose_lhs_hint = false} : vector<16x64xf32>, vector<16x128xf32>, vector<64x128xf32> -> vector<64x128xf32>
    %mul3A_848 = arith.mulf %dot_general3A_847, %max3A_844 : vector<64x128xf32>
    %dot_general3A_849 = arith.constant dense<0.000000e+00> : vector<4x128xf32>
    %dot_general3A_850 = tpu.matmul %get3A_10, %mul3A_848, %dot_general3A_849 {dimension_numbers = #tpu.dot_dimension_numbers<[1], [0], [0], [1], [0, 0, 1, 1], [], []>, transpose_lhs_hint = false} : vector<4x64xf32>, vector<64x128xf32>, vector<4x128xf32> -> vector<4x128xf32>
    %slice3A_851 = vector.extract_strided_slice %add3A_25 {offsets = [26, 0], sizes = [1, 128], strides = [1, 1]} : vector<32x256xf32> to vector<1x128xf32>
    %squeeze3A_852 = vector.shape_cast %slice3A_851 : vector<1x128xf32> to vector<128xf32>
    %slice3A_853 = vector.extract_strided_slice %add3A_25 {offsets = [26, 128], sizes = [1, 128], strides = [1, 1]} : vector<32x256xf32> to vector<1x128xf32>
    %squeeze3A_854 = vector.shape_cast %slice3A_853 : vector<1x128xf32> to vector<128xf32>
    %broadcast_in_dim3A_855 = vector.shape_cast %squeeze3A_854 : vector<128xf32> to vector<1x128xf32>
    %sub3A_856 = vector.broadcast %broadcast_in_dim3A_855 : vector<1x128xf32> to vector<16x128xf32>
    %sub3A_857 = vector.broadcast %get3A_4 : vector<16x1xf32> to vector<16x128xf32>
    %sub3A_858 = arith.subf %sub3A_856, %sub3A_857 : vector<16x128xf32>
    %abs3A_859 = math.absf %sub3A_858 : vector<16x128xf32>
    %sub3A_860 = arith.constant 1.000000e+00 : f32
    %sub3A_861 = vector.broadcast %sub3A_860 : f32 to vector<16x128xf32>
    %sub3A_862 = arith.subf %sub3A_861, %abs3A_859 : vector<16x128xf32>
    %max3A_863 = arith.constant 0.000000e+00 : f32
    %max3A_864 = vector.broadcast %max3A_863 : f32 to vector<16x128xf32>
    %max3A_865 = arith.maximumf %max3A_864, %sub3A_862 : vector<16x128xf32>
    %broadcast_in_dim3A_866 = vector.shape_cast %squeeze3A_852 : vector<128xf32> to vector<1x128xf32>
    %sub3A_867 = vector.broadcast %broadcast_in_dim3A_866 : vector<1x128xf32> to vector<64x128xf32>
    %sub3A_868 = vector.broadcast %get3A_7 : vector<64x1xf32> to vector<64x128xf32>
    %sub3A_869 = arith.subf %sub3A_867, %sub3A_868 : vector<64x128xf32>
    %abs3A_870 = math.absf %sub3A_869 : vector<64x128xf32>
    %sub3A_871 = arith.constant 1.000000e+00 : f32
    %sub3A_872 = vector.broadcast %sub3A_871 : f32 to vector<64x128xf32>
    %sub3A_873 = arith.subf %sub3A_872, %abs3A_870 : vector<64x128xf32>
    %max3A_874 = arith.constant 0.000000e+00 : f32
    %max3A_875 = vector.broadcast %max3A_874 : f32 to vector<64x128xf32>
    %max3A_876 = arith.maximumf %max3A_875, %sub3A_873 : vector<64x128xf32>
    %slice3A_877 = vector.extract_strided_slice %get3A_1 {offsets = [416, 0], sizes = [16, 64], strides = [1, 1]} : vector<512x64xf32> to vector<16x64xf32>
    %dot_general3A_878 = arith.constant dense<0.000000e+00> : vector<64x128xf32>
    %dot_general3A_879 = tpu.matmul %slice3A_877, %max3A_865, %dot_general3A_878 {dimension_numbers = #tpu.dot_dimension_numbers<[0], [0], [1], [1], [0, 1, 1, 1], [], []>, transpose_lhs_hint = false} : vector<16x64xf32>, vector<16x128xf32>, vector<64x128xf32> -> vector<64x128xf32>
    %mul3A_880 = arith.mulf %dot_general3A_879, %max3A_876 : vector<64x128xf32>
    %dot_general3A_881 = arith.constant dense<0.000000e+00> : vector<4x128xf32>
    %dot_general3A_882 = tpu.matmul %get3A_10, %mul3A_880, %dot_general3A_881 {dimension_numbers = #tpu.dot_dimension_numbers<[1], [0], [0], [1], [0, 0, 1, 1], [], []>, transpose_lhs_hint = false} : vector<4x64xf32>, vector<64x128xf32>, vector<4x128xf32> -> vector<4x128xf32>
    %slice3A_883 = vector.extract_strided_slice %add3A_25 {offsets = [27, 0], sizes = [1, 128], strides = [1, 1]} : vector<32x256xf32> to vector<1x128xf32>
    %squeeze3A_884 = vector.shape_cast %slice3A_883 : vector<1x128xf32> to vector<128xf32>
    %slice3A_885 = vector.extract_strided_slice %add3A_25 {offsets = [27, 128], sizes = [1, 128], strides = [1, 1]} : vector<32x256xf32> to vector<1x128xf32>
    %squeeze3A_886 = vector.shape_cast %slice3A_885 : vector<1x128xf32> to vector<128xf32>
    %broadcast_in_dim3A_887 = vector.shape_cast %squeeze3A_886 : vector<128xf32> to vector<1x128xf32>
    %sub3A_888 = vector.broadcast %broadcast_in_dim3A_887 : vector<1x128xf32> to vector<16x128xf32>
    %sub3A_889 = vector.broadcast %get3A_4 : vector<16x1xf32> to vector<16x128xf32>
    %sub3A_890 = arith.subf %sub3A_888, %sub3A_889 : vector<16x128xf32>
    %abs3A_891 = math.absf %sub3A_890 : vector<16x128xf32>
    %sub3A_892 = arith.constant 1.000000e+00 : f32
    %sub3A_893 = vector.broadcast %sub3A_892 : f32 to vector<16x128xf32>
    %sub3A_894 = arith.subf %sub3A_893, %abs3A_891 : vector<16x128xf32>
    %max3A_895 = arith.constant 0.000000e+00 : f32
    %max3A_896 = vector.broadcast %max3A_895 : f32 to vector<16x128xf32>
    %max3A_897 = arith.maximumf %max3A_896, %sub3A_894 : vector<16x128xf32>
    %broadcast_in_dim3A_898 = vector.shape_cast %squeeze3A_884 : vector<128xf32> to vector<1x128xf32>
    %sub3A_899 = vector.broadcast %broadcast_in_dim3A_898 : vector<1x128xf32> to vector<64x128xf32>
    %sub3A_900 = vector.broadcast %get3A_7 : vector<64x1xf32> to vector<64x128xf32>
    %sub3A_901 = arith.subf %sub3A_899, %sub3A_900 : vector<64x128xf32>
    %abs3A_902 = math.absf %sub3A_901 : vector<64x128xf32>
    %sub3A_903 = arith.constant 1.000000e+00 : f32
    %sub3A_904 = vector.broadcast %sub3A_903 : f32 to vector<64x128xf32>
    %sub3A_905 = arith.subf %sub3A_904, %abs3A_902 : vector<64x128xf32>
    %max3A_906 = arith.constant 0.000000e+00 : f32
    %max3A_907 = vector.broadcast %max3A_906 : f32 to vector<64x128xf32>
    %max3A_908 = arith.maximumf %max3A_907, %sub3A_905 : vector<64x128xf32>
    %slice3A_909 = vector.extract_strided_slice %get3A_1 {offsets = [432, 0], sizes = [16, 64], strides = [1, 1]} : vector<512x64xf32> to vector<16x64xf32>
    %dot_general3A_910 = arith.constant dense<0.000000e+00> : vector<64x128xf32>
    %dot_general3A_911 = tpu.matmul %slice3A_909, %max3A_897, %dot_general3A_910 {dimension_numbers = #tpu.dot_dimension_numbers<[0], [0], [1], [1], [0, 1, 1, 1], [], []>, transpose_lhs_hint = false} : vector<16x64xf32>, vector<16x128xf32>, vector<64x128xf32> -> vector<64x128xf32>
    %mul3A_912 = arith.mulf %dot_general3A_911, %max3A_908 : vector<64x128xf32>
    %dot_general3A_913 = arith.constant dense<0.000000e+00> : vector<4x128xf32>
    %dot_general3A_914 = tpu.matmul %get3A_10, %mul3A_912, %dot_general3A_913 {dimension_numbers = #tpu.dot_dimension_numbers<[1], [0], [0], [1], [0, 0, 1, 1], [], []>, transpose_lhs_hint = false} : vector<4x64xf32>, vector<64x128xf32>, vector<4x128xf32> -> vector<4x128xf32>
    %slice3A_915 = vector.extract_strided_slice %add3A_25 {offsets = [28, 0], sizes = [1, 128], strides = [1, 1]} : vector<32x256xf32> to vector<1x128xf32>
    %squeeze3A_916 = vector.shape_cast %slice3A_915 : vector<1x128xf32> to vector<128xf32>
    %slice3A_917 = vector.extract_strided_slice %add3A_25 {offsets = [28, 128], sizes = [1, 128], strides = [1, 1]} : vector<32x256xf32> to vector<1x128xf32>
    %squeeze3A_918 = vector.shape_cast %slice3A_917 : vector<1x128xf32> to vector<128xf32>
    %broadcast_in_dim3A_919 = vector.shape_cast %squeeze3A_918 : vector<128xf32> to vector<1x128xf32>
    %sub3A_920 = vector.broadcast %broadcast_in_dim3A_919 : vector<1x128xf32> to vector<16x128xf32>
    %sub3A_921 = vector.broadcast %get3A_4 : vector<16x1xf32> to vector<16x128xf32>
    %sub3A_922 = arith.subf %sub3A_920, %sub3A_921 : vector<16x128xf32>
    %abs3A_923 = math.absf %sub3A_922 : vector<16x128xf32>
    %sub3A_924 = arith.constant 1.000000e+00 : f32
    %sub3A_925 = vector.broadcast %sub3A_924 : f32 to vector<16x128xf32>
    %sub3A_926 = arith.subf %sub3A_925, %abs3A_923 : vector<16x128xf32>
    %max3A_927 = arith.constant 0.000000e+00 : f32
    %max3A_928 = vector.broadcast %max3A_927 : f32 to vector<16x128xf32>
    %max3A_929 = arith.maximumf %max3A_928, %sub3A_926 : vector<16x128xf32>
    %broadcast_in_dim3A_930 = vector.shape_cast %squeeze3A_916 : vector<128xf32> to vector<1x128xf32>
    %sub3A_931 = vector.broadcast %broadcast_in_dim3A_930 : vector<1x128xf32> to vector<64x128xf32>
    %sub3A_932 = vector.broadcast %get3A_7 : vector<64x1xf32> to vector<64x128xf32>
    %sub3A_933 = arith.subf %sub3A_931, %sub3A_932 : vector<64x128xf32>
    %abs3A_934 = math.absf %sub3A_933 : vector<64x128xf32>
    %sub3A_935 = arith.constant 1.000000e+00 : f32
    %sub3A_936 = vector.broadcast %sub3A_935 : f32 to vector<64x128xf32>
    %sub3A_937 = arith.subf %sub3A_936, %abs3A_934 : vector<64x128xf32>
    %max3A_938 = arith.constant 0.000000e+00 : f32
    %max3A_939 = vector.broadcast %max3A_938 : f32 to vector<64x128xf32>
    %max3A_940 = arith.maximumf %max3A_939, %sub3A_937 : vector<64x128xf32>
    %slice3A_941 = vector.extract_strided_slice %get3A_1 {offsets = [448, 0], sizes = [16, 64], strides = [1, 1]} : vector<512x64xf32> to vector<16x64xf32>
    %dot_general3A_942 = arith.constant dense<0.000000e+00> : vector<64x128xf32>
    %dot_general3A_943 = tpu.matmul %slice3A_941, %max3A_929, %dot_general3A_942 {dimension_numbers = #tpu.dot_dimension_numbers<[0], [0], [1], [1], [0, 1, 1, 1], [], []>, transpose_lhs_hint = false} : vector<16x64xf32>, vector<16x128xf32>, vector<64x128xf32> -> vector<64x128xf32>
    %mul3A_944 = arith.mulf %dot_general3A_943, %max3A_940 : vector<64x128xf32>
    %dot_general3A_945 = arith.constant dense<0.000000e+00> : vector<4x128xf32>
    %dot_general3A_946 = tpu.matmul %get3A_10, %mul3A_944, %dot_general3A_945 {dimension_numbers = #tpu.dot_dimension_numbers<[1], [0], [0], [1], [0, 0, 1, 1], [], []>, transpose_lhs_hint = false} : vector<4x64xf32>, vector<64x128xf32>, vector<4x128xf32> -> vector<4x128xf32>
    %slice3A_947 = vector.extract_strided_slice %add3A_25 {offsets = [29, 0], sizes = [1, 128], strides = [1, 1]} : vector<32x256xf32> to vector<1x128xf32>
    %squeeze3A_948 = vector.shape_cast %slice3A_947 : vector<1x128xf32> to vector<128xf32>
    %slice3A_949 = vector.extract_strided_slice %add3A_25 {offsets = [29, 128], sizes = [1, 128], strides = [1, 1]} : vector<32x256xf32> to vector<1x128xf32>
    %squeeze3A_950 = vector.shape_cast %slice3A_949 : vector<1x128xf32> to vector<128xf32>
    %broadcast_in_dim3A_951 = vector.shape_cast %squeeze3A_950 : vector<128xf32> to vector<1x128xf32>
    %sub3A_952 = vector.broadcast %broadcast_in_dim3A_951 : vector<1x128xf32> to vector<16x128xf32>
    %sub3A_953 = vector.broadcast %get3A_4 : vector<16x1xf32> to vector<16x128xf32>
    %sub3A_954 = arith.subf %sub3A_952, %sub3A_953 : vector<16x128xf32>
    %abs3A_955 = math.absf %sub3A_954 : vector<16x128xf32>
    %sub3A_956 = arith.constant 1.000000e+00 : f32
    %sub3A_957 = vector.broadcast %sub3A_956 : f32 to vector<16x128xf32>
    %sub3A_958 = arith.subf %sub3A_957, %abs3A_955 : vector<16x128xf32>
    %max3A_959 = arith.constant 0.000000e+00 : f32
    %max3A_960 = vector.broadcast %max3A_959 : f32 to vector<16x128xf32>
    %max3A_961 = arith.maximumf %max3A_960, %sub3A_958 : vector<16x128xf32>
    %broadcast_in_dim3A_962 = vector.shape_cast %squeeze3A_948 : vector<128xf32> to vector<1x128xf32>
    %sub3A_963 = vector.broadcast %broadcast_in_dim3A_962 : vector<1x128xf32> to vector<64x128xf32>
    %sub3A_964 = vector.broadcast %get3A_7 : vector<64x1xf32> to vector<64x128xf32>
    %sub3A_965 = arith.subf %sub3A_963, %sub3A_964 : vector<64x128xf32>
    %abs3A_966 = math.absf %sub3A_965 : vector<64x128xf32>
    %sub3A_967 = arith.constant 1.000000e+00 : f32
    %sub3A_968 = vector.broadcast %sub3A_967 : f32 to vector<64x128xf32>
    %sub3A_969 = arith.subf %sub3A_968, %abs3A_966 : vector<64x128xf32>
    %max3A_970 = arith.constant 0.000000e+00 : f32
    %max3A_971 = vector.broadcast %max3A_970 : f32 to vector<64x128xf32>
    %max3A_972 = arith.maximumf %max3A_971, %sub3A_969 : vector<64x128xf32>
    %slice3A_973 = vector.extract_strided_slice %get3A_1 {offsets = [464, 0], sizes = [16, 64], strides = [1, 1]} : vector<512x64xf32> to vector<16x64xf32>
    %dot_general3A_974 = arith.constant dense<0.000000e+00> : vector<64x128xf32>
    %dot_general3A_975 = tpu.matmul %slice3A_973, %max3A_961, %dot_general3A_974 {dimension_numbers = #tpu.dot_dimension_numbers<[0], [0], [1], [1], [0, 1, 1, 1], [], []>, transpose_lhs_hint = false} : vector<16x64xf32>, vector<16x128xf32>, vector<64x128xf32> -> vector<64x128xf32>
    %mul3A_976 = arith.mulf %dot_general3A_975, %max3A_972 : vector<64x128xf32>
    %dot_general3A_977 = arith.constant dense<0.000000e+00> : vector<4x128xf32>
    %dot_general3A_978 = tpu.matmul %get3A_10, %mul3A_976, %dot_general3A_977 {dimension_numbers = #tpu.dot_dimension_numbers<[1], [0], [0], [1], [0, 0, 1, 1], [], []>, transpose_lhs_hint = false} : vector<4x64xf32>, vector<64x128xf32>, vector<4x128xf32> -> vector<4x128xf32>
    %slice3A_979 = vector.extract_strided_slice %add3A_25 {offsets = [30, 0], sizes = [1, 128], strides = [1, 1]} : vector<32x256xf32> to vector<1x128xf32>
    %squeeze3A_980 = vector.shape_cast %slice3A_979 : vector<1x128xf32> to vector<128xf32>
    %slice3A_981 = vector.extract_strided_slice %add3A_25 {offsets = [30, 128], sizes = [1, 128], strides = [1, 1]} : vector<32x256xf32> to vector<1x128xf32>
    %squeeze3A_982 = vector.shape_cast %slice3A_981 : vector<1x128xf32> to vector<128xf32>
    %broadcast_in_dim3A_983 = vector.shape_cast %squeeze3A_982 : vector<128xf32> to vector<1x128xf32>
    %sub3A_984 = vector.broadcast %broadcast_in_dim3A_983 : vector<1x128xf32> to vector<16x128xf32>
    %sub3A_985 = vector.broadcast %get3A_4 : vector<16x1xf32> to vector<16x128xf32>
    %sub3A_986 = arith.subf %sub3A_984, %sub3A_985 : vector<16x128xf32>
    %abs3A_987 = math.absf %sub3A_986 : vector<16x128xf32>
    %sub3A_988 = arith.constant 1.000000e+00 : f32
    %sub3A_989 = vector.broadcast %sub3A_988 : f32 to vector<16x128xf32>
    %sub3A_990 = arith.subf %sub3A_989, %abs3A_987 : vector<16x128xf32>
    %max3A_991 = arith.constant 0.000000e+00 : f32
    %max3A_992 = vector.broadcast %max3A_991 : f32 to vector<16x128xf32>
    %max3A_993 = arith.maximumf %max3A_992, %sub3A_990 : vector<16x128xf32>
    %broadcast_in_dim3A_994 = vector.shape_cast %squeeze3A_980 : vector<128xf32> to vector<1x128xf32>
    %sub3A_995 = vector.broadcast %broadcast_in_dim3A_994 : vector<1x128xf32> to vector<64x128xf32>
    %sub3A_996 = vector.broadcast %get3A_7 : vector<64x1xf32> to vector<64x128xf32>
    %sub3A_997 = arith.subf %sub3A_995, %sub3A_996 : vector<64x128xf32>
    %abs3A_998 = math.absf %sub3A_997 : vector<64x128xf32>
    %sub3A_999 = arith.constant 1.000000e+00 : f32
    %sub3A_1000 = vector.broadcast %sub3A_999 : f32 to vector<64x128xf32>
    %sub3A_1001 = arith.subf %sub3A_1000, %abs3A_998 : vector<64x128xf32>
    %max3A_1002 = arith.constant 0.000000e+00 : f32
    %max3A_1003 = vector.broadcast %max3A_1002 : f32 to vector<64x128xf32>
    %max3A_1004 = arith.maximumf %max3A_1003, %sub3A_1001 : vector<64x128xf32>
    %slice3A_1005 = vector.extract_strided_slice %get3A_1 {offsets = [480, 0], sizes = [16, 64], strides = [1, 1]} : vector<512x64xf32> to vector<16x64xf32>
    %dot_general3A_1006 = arith.constant dense<0.000000e+00> : vector<64x128xf32>
    %dot_general3A_1007 = tpu.matmul %slice3A_1005, %max3A_993, %dot_general3A_1006 {dimension_numbers = #tpu.dot_dimension_numbers<[0], [0], [1], [1], [0, 1, 1, 1], [], []>, transpose_lhs_hint = false} : vector<16x64xf32>, vector<16x128xf32>, vector<64x128xf32> -> vector<64x128xf32>
    %mul3A_1008 = arith.mulf %dot_general3A_1007, %max3A_1004 : vector<64x128xf32>
    %dot_general3A_1009 = arith.constant dense<0.000000e+00> : vector<4x128xf32>
    %dot_general3A_1010 = tpu.matmul %get3A_10, %mul3A_1008, %dot_general3A_1009 {dimension_numbers = #tpu.dot_dimension_numbers<[1], [0], [0], [1], [0, 0, 1, 1], [], []>, transpose_lhs_hint = false} : vector<4x64xf32>, vector<64x128xf32>, vector<4x128xf32> -> vector<4x128xf32>
    %slice3A_1011 = vector.extract_strided_slice %add3A_25 {offsets = [31, 0], sizes = [1, 128], strides = [1, 1]} : vector<32x256xf32> to vector<1x128xf32>
    %squeeze3A_1012 = vector.shape_cast %slice3A_1011 : vector<1x128xf32> to vector<128xf32>
    %slice3A_1013 = vector.extract_strided_slice %add3A_25 {offsets = [31, 128], sizes = [1, 128], strides = [1, 1]} : vector<32x256xf32> to vector<1x128xf32>
    %squeeze3A_1014 = vector.shape_cast %slice3A_1013 : vector<1x128xf32> to vector<128xf32>
    %broadcast_in_dim3A_1015 = vector.shape_cast %squeeze3A_1014 : vector<128xf32> to vector<1x128xf32>
    %sub3A_1016 = vector.broadcast %broadcast_in_dim3A_1015 : vector<1x128xf32> to vector<16x128xf32>
    %sub3A_1017 = vector.broadcast %get3A_4 : vector<16x1xf32> to vector<16x128xf32>
    %sub3A_1018 = arith.subf %sub3A_1016, %sub3A_1017 : vector<16x128xf32>
    %abs3A_1019 = math.absf %sub3A_1018 : vector<16x128xf32>
    %sub3A_1020 = arith.constant 1.000000e+00 : f32
    %sub3A_1021 = vector.broadcast %sub3A_1020 : f32 to vector<16x128xf32>
    %sub3A_1022 = arith.subf %sub3A_1021, %abs3A_1019 : vector<16x128xf32>
    %max3A_1023 = arith.constant 0.000000e+00 : f32
    %max3A_1024 = vector.broadcast %max3A_1023 : f32 to vector<16x128xf32>
    %max3A_1025 = arith.maximumf %max3A_1024, %sub3A_1022 : vector<16x128xf32>
    %broadcast_in_dim3A_1026 = vector.shape_cast %squeeze3A_1012 : vector<128xf32> to vector<1x128xf32>
    %sub3A_1027 = vector.broadcast %broadcast_in_dim3A_1026 : vector<1x128xf32> to vector<64x128xf32>
    %sub3A_1028 = vector.broadcast %get3A_7 : vector<64x1xf32> to vector<64x128xf32>
    %sub3A_1029 = arith.subf %sub3A_1027, %sub3A_1028 : vector<64x128xf32>
    %abs3A_1030 = math.absf %sub3A_1029 : vector<64x128xf32>
    %sub3A_1031 = arith.constant 1.000000e+00 : f32
    %sub3A_1032 = vector.broadcast %sub3A_1031 : f32 to vector<64x128xf32>
    %sub3A_1033 = arith.subf %sub3A_1032, %abs3A_1030 : vector<64x128xf32>
    %max3A_1034 = arith.constant 0.000000e+00 : f32
    %max3A_1035 = vector.broadcast %max3A_1034 : f32 to vector<64x128xf32>
    %max3A_1036 = arith.maximumf %max3A_1035, %sub3A_1033 : vector<64x128xf32>
    %slice3A_1037 = vector.extract_strided_slice %get3A_1 {offsets = [496, 0], sizes = [16, 64], strides = [1, 1]} : vector<512x64xf32> to vector<16x64xf32>
    %dot_general3A_1038 = arith.constant dense<0.000000e+00> : vector<64x128xf32>
    %dot_general3A_1039 = tpu.matmul %slice3A_1037, %max3A_1025, %dot_general3A_1038 {dimension_numbers = #tpu.dot_dimension_numbers<[0], [0], [1], [1], [0, 1, 1, 1], [], []>, transpose_lhs_hint = false} : vector<16x64xf32>, vector<16x128xf32>, vector<64x128xf32> -> vector<64x128xf32>
    %mul3A_1040 = arith.mulf %dot_general3A_1039, %max3A_1036 : vector<64x128xf32>
    %dot_general3A_1041 = arith.constant dense<0.000000e+00> : vector<4x128xf32>
    %dot_general3A_1042 = tpu.matmul %get3A_10, %mul3A_1040, %dot_general3A_1041 {dimension_numbers = #tpu.dot_dimension_numbers<[1], [0], [0], [1], [0, 0, 1, 1], [], []>, transpose_lhs_hint = false} : vector<4x64xf32>, vector<64x128xf32>, vector<4x128xf32> -> vector<4x128xf32>
    %concatenate3A = tpu.concatenate %dot_general3A_50, %dot_general3A_82, %dot_general3A_114, %dot_general3A_146, %dot_general3A_178, %dot_general3A_210, %dot_general3A_242, %dot_general3A_274, %dot_general3A_306, %dot_general3A_338, %dot_general3A_370, %dot_general3A_402, %dot_general3A_434, %dot_general3A_466, %dot_general3A_498, %dot_general3A_530, %dot_general3A_562, %dot_general3A_594, %dot_general3A_626, %dot_general3A_658, %dot_general3A_690, %dot_general3A_722, %dot_general3A_754, %dot_general3A_786, %dot_general3A_818, %dot_general3A_850, %dot_general3A_882, %dot_general3A_914, %dot_general3A_946, %dot_general3A_978, %dot_general3A_1010, %dot_general3A_1042 in 1 : vector<4x128xf32>, vector<4x128xf32>, vector<4x128xf32>, vector<4x128xf32>, vector<4x128xf32>, vector<4x128xf32>, vector<4x128xf32>, vector<4x128xf32>, vector<4x128xf32>, vector<4x128xf32>, vector<4x128xf32>, vector<4x128xf32>, vector<4x128xf32>, vector<4x128xf32>, vector<4x128xf32>, vector<4x128xf32>, vector<4x128xf32>, vector<4x128xf32>, vector<4x128xf32>, vector<4x128xf32>, vector<4x128xf32>, vector<4x128xf32>, vector<4x128xf32>, vector<4x128xf32>, vector<4x128xf32>, vector<4x128xf32>, vector<4x128xf32>, vector<4x128xf32>, vector<4x128xf32>, vector<4x128xf32>, vector<4x128xf32>, vector<4x128xf32> -> vector<4x4096xf32>
    %get3A_1043 = arith.constant 0 : index
    %get3A_1044 = arith.constant 0 : index
    %get3A_1045 = vector.load %arg8[%get3A_1043, %get3A_1044] : memref<64x4xf32, #tpu.memory_space<vmem>>, vector<64x4xf32>
    %dot_general3A_1046 = arith.constant dense<0.000000e+00> : vector<64x4096xf32>
    %dot_general3A_1047 = tpu.matmul %get3A_1045, %concatenate3A, %dot_general3A_1046 {dimension_numbers = #tpu.dot_dimension_numbers<[1], [0], [0], [1], [0, 0, 1, 1], [], []>, transpose_lhs_hint = false} : vector<64x4xf32>, vector<4x4096xf32>, vector<64x4096xf32> -> vector<64x4096xf32>
    %get3A_1048 = arith.constant 0 : index
    %get3A_1049 = arith.constant 0 : index
    %get3A_1050 = vector.load %arg9[%get3A_1048, %get3A_1049] : memref<64x1xf32, #tpu.memory_space<vmem>>, vector<64x1xf32>
    %add3A_1051 = vector.broadcast %get3A_1050 : vector<64x1xf32> to vector<64x4096xf32>
    %add3A_1052 = arith.addf %dot_general3A_1047, %add3A_1051 : vector<64x4096xf32>
    %mul3A_1053 = arith.constant 0.00999999977 : f32
    %mul3A_1054 = vector.broadcast %mul3A_1053 : f32 to vector<64x4096xf32>
    %mul3A_1055 = arith.mulf %mul3A_1054, %add3A_1052 : vector<64x4096xf32>
    %max3A_1056 = arith.maximumf %add3A_1052, %mul3A_1055 : vector<64x4096xf32>
    %get3A_1057 = arith.constant 0 : index
    %get3A_1058 = arith.constant 0 : index
    %get3A_1059 = vector.load %arg10[%get3A_1057, %get3A_1058] : memref<64x64xf32, #tpu.memory_space<vmem>>, vector<64x64xf32>
    %dot_general3A_1060 = arith.constant dense<0.000000e+00> : vector<64x4096xf32>
    %dot_general3A_1061 = tpu.matmul %get3A_1059, %max3A_1056, %dot_general3A_1060 {dimension_numbers = #tpu.dot_dimension_numbers<[1], [0], [0], [1], [0, 0, 1, 1], [], []>, transpose_lhs_hint = false} : vector<64x64xf32>, vector<64x4096xf32>, vector<64x4096xf32> -> vector<64x4096xf32>
    %get3A_1062 = arith.constant 0 : index
    %get3A_1063 = arith.constant 0 : index
    %get3A_1064 = vector.load %arg11[%get3A_1062, %get3A_1063] : memref<64x1xf32, #tpu.memory_space<vmem>>, vector<64x1xf32>
    %add3A_1065 = vector.broadcast %get3A_1064 : vector<64x1xf32> to vector<64x4096xf32>
    %add3A_1066 = arith.addf %dot_general3A_1061, %add3A_1065 : vector<64x4096xf32>
    %mul3A_1067 = arith.constant 0.00999999977 : f32
    %mul3A_1068 = vector.broadcast %mul3A_1067 : f32 to vector<64x4096xf32>
    %mul3A_1069 = arith.mulf %mul3A_1068, %add3A_1066 : vector<64x4096xf32>
    %max3A_1070 = arith.maximumf %add3A_1066, %mul3A_1069 : vector<64x4096xf32>
    %get3A_1071 = arith.constant 0 : index
    %get3A_1072 = arith.constant 0 : index
    %get3A_1073 = vector.load %arg12[%get3A_1071, %get3A_1072] : memref<4x64xf32, #tpu.memory_space<vmem>>, vector<4x64xf32>
    %dot_general3A_1074 = arith.constant dense<0.000000e+00> : vector<4x4096xf32>
    %dot_general3A_1075 = tpu.matmul %get3A_1073, %max3A_1070, %dot_general3A_1074 {dimension_numbers = #tpu.dot_dimension_numbers<[1], [0], [0], [1], [0, 0, 1, 1], [], []>, transpose_lhs_hint = false} : vector<4x64xf32>, vector<64x4096xf32>, vector<4x4096xf32> -> vector<4x4096xf32>
    %get3A_1076 = arith.constant 0 : index
    %get3A_1077 = arith.constant 0 : index
    %get3A_1078 = vector.load %arg13[%get3A_1076, %get3A_1077] : memref<4x1xf32, #tpu.memory_space<vmem>>, vector<4x1xf32>
    %add3A_1079 = vector.broadcast %get3A_1078 : vector<4x1xf32> to vector<4x4096xf32>
    %add3A_1080 = arith.addf %dot_general3A_1075, %add3A_1079 : vector<4x4096xf32>
    %transpose3A = tpu.transpose %add3A_1080, [1, 0] : vector<4x4096xf32> -> vector<4096x4xf32>
    %swap3A = arith.constant 0 : index
    %swap3A_1081 = arith.constant 0 : index
    %swap3A_1082 = vector.load %arg14[%swap3A, %swap3A_1081] : memref<4096x4xf32, #tpu.memory_space<vmem>>, vector<4096x4xf32>
    tpu.vector_store %arg14[%swap3A, %swap3A_1081], %transpose3A {strides = array<i32>} : memref<4096x4xf32, #tpu.memory_space<vmem>>, vector<4096x4xf32>,
    return
  }
  func.func @transform_0(%arg0: i32) -> (i32, i32) {
    %c0_i32 = arith.constant 0 : i32
    %c0_i32_0 = arith.constant 0 : i32
    return %arg0, %c0_i32 : i32, i32
  }
  func.func @transform_1(%arg0: i32) -> (i32, i32) {
    %c0_i32 = arith.constant 0 : i32
    %c0_i32_0 = arith.constant 0 : i32
    return %arg0, %c0_i32 : i32, i32
  }
  func.func @transform_2(%arg0: i32) -> (i32, i32) {
    %c0_i32 = arith.constant 0 : i32
    %c0_i32_0 = arith.constant 0 : i32
    return %arg0, %c0_i32 : i32, i32
  }
  func.func @transform_3(%arg0: i32) -> (i32, i32) {
    %c0_i32 = arith.constant 0 : i32
    %c0_i32_0 = arith.constant 0 : i32
    %c0_i32_1 = arith.constant 0 : i32
    return %c0_i32, %c0_i32_0 : i32, i32
  }
  func.func @transform_4(%arg0: i32) -> (i32, i32) {
    %c0_i32 = arith.constant 0 : i32
    %c0_i32_0 = arith.constant 0 : i32
    %c0_i32_1 = arith.constant 0 : i32
    return %c0_i32, %c0_i32_0 : i32, i32
  }
  func.func @transform_5(%arg0: i32) -> (i32, i32) {
    %c0_i32 = arith.constant 0 : i32
    %c0_i32_0 = arith.constant 0 : i32
    %c0_i32_1 = arith.constant 0 : i32
    return %c0_i32, %c0_i32_0 : i32, i32
  }
  func.func @transform_6(%arg0: i32) -> (i32, i32) {
    %c0_i32 = arith.constant 0 : i32
    %c0_i32_0 = arith.constant 0 : i32
    %c0_i32_1 = arith.constant 0 : i32
    return %c0_i32, %c0_i32_0 : i32, i32
  }
  func.func @transform_7(%arg0: i32) -> (i32, i32) {
    %c0_i32 = arith.constant 0 : i32
    %c0_i32_0 = arith.constant 0 : i32
    %c0_i32_1 = arith.constant 0 : i32
    return %c0_i32, %c0_i32_0 : i32, i32
  }
  func.func @transform_8(%arg0: i32) -> (i32, i32) {
    %c0_i32 = arith.constant 0 : i32
    %c0_i32_0 = arith.constant 0 : i32
    %c0_i32_1 = arith.constant 0 : i32
    return %c0_i32, %c0_i32_0 : i32, i32
  }
  func.func @transform_9(%arg0: i32) -> (i32, i32) {
    %c0_i32 = arith.constant 0 : i32
    %c0_i32_0 = arith.constant 0 : i32
    %c0_i32_1 = arith.constant 0 : i32
    return %c0_i32, %c0_i32_0 : i32, i32
  }
  func.func @transform_10(%arg0: i32) -> (i32, i32) {
    %c0_i32 = arith.constant 0 : i32
    %c0_i32_0 = arith.constant 0 : i32
    %c0_i32_1 = arith.constant 0 : i32
    return %c0_i32, %c0_i32_0 : i32, i32
  }
  func.func @transform_11(%arg0: i32) -> (i32, i32) {
    %c0_i32 = arith.constant 0 : i32
    %c0_i32_0 = arith.constant 0 : i32
    %c0_i32_1 = arith.constant 0 : i32
    return %c0_i32, %c0_i32_0 : i32, i32
  }
  func.func @transform_12(%arg0: i32) -> (i32, i32) {
    %c0_i32 = arith.constant 0 : i32
    %c0_i32_0 = arith.constant 0 : i32
    %c0_i32_1 = arith.constant 0 : i32
    return %c0_i32, %c0_i32_0 : i32, i32
  }
  func.func @transform_13(%arg0: i32) -> (i32, i32) {
    %c0_i32 = arith.constant 0 : i32
    %c0_i32_0 = arith.constant 0 : i32
    return %arg0, %c0_i32 : i32, i32
  }
}

</mosaic_0001>

<sc_bundles>
// kernel: kernel.4.cloned.1.call-start
scs
__scs_entry_jumppad:
0x0: {  	(pc) =	sbr.rel $0x88, $3  }
0x1: {  	(tag) =	ssettag $0x0;
	lr =	simm.s32 $0x1  }
0x2: {  	[smem:$0x3F98] =	sst lr;
	_ =	strace $0xD0000000  }
0x3: {  	_ = 	snop  }
0x4: {  	_ = 	snop  }
0x5: {  	_ = 	snop  }
0x6: {  	_ = 	snop  }
0x7: {  	_ = 	snop  }
__scs_overlays_trampoline_lowered:
0x8: {  	[smem:$0x3FA7] =	sst s0  }
0x9: {  	[smem:$0x3FA8] =	sst s1  }
0xa: {  	[smem:$0x3FA9] =	sst s2  }
0xb: {  	[smem:$0x3FAA] =	sst s3  }
0xc: {  	[smem:$0x3FAB] =	sst s4  }
0xd: {  	[smem:$0x3FAC] =	sst s5  }
0xe: {  	[smem:$0x3FAD] =	sst s6  }
0xf: {  	[smem:$0x3FAE] =	sst s7  }
0x10: {  	[smem:$0x3FAF] =	sst s8  }
0x11: {  	[smem:$0x3FB0] =	sst s9;
	s0 =	simm.s32 @!p0 $0x0  }
0x12: {  	s1 =	sld [smem:$0x3F96];
	s0 =	simm.s32 @p0 $0x1  }
0x13: {  	[smem:$0x3FB1] =	sst s0;
	s0 =	simm.s32 @!p1 $0x0  }
0x14: {  	s2 =	sld [smem:$0x3F95];
	s0 =	simm.s32 @p1 $0x1  }
0x15: {  	[smem:$0x3FB2] =	sst s0;
	s0 =	simm.s32 @!p2 $0x0  }
0x16: {  	s3 =	sld [smem:$0x3FDB];
	s0 =	simm.s32 @p2 $0x1  }
0x17: {  	s4 =	simm.s32 $0x1BF5;
	[smem:$0x3FB4] =	sst s0  }
0x18: {  	s0 =	sld [smem:$0x3F97];
	_ =	swait.ge [sflag:s4], $0x0  }
0x19: {  	s7 =	sld [smem:$0x3F98]  }
0x1a: {  	s8 =	sadd.s32 $0xFFFFE003, lr  }
0x1b: {  	s9 =	sadd.s32 $0xFFFFFEF7, lr;
	s5 =	simm.s32 $0xFFFFFFFF;
	p2 =	slt.u32 s8, $0xFFFFF086  }
0x1c: {  	p1 =	slt.u32 s9, $0xF7A;
	s5 =	simm.s32 @!p2 $0x0  }
0x1d: {  	s5 =	simm.s32 @p1 $0x1;
	p0 =	seq.s32 s7, s2  }
0x1e: {  	s7 =	smul.u32 @!p0 $0xF7A, s2;
	p2 =	seq.s32 @!p0 s5, $0x0  }
0x1f: {  	s9 =	smul.u32 $0xF7A, s1;
	s8 =	simm.s32 @!p0 $0x1BF5;
	p2 =	por !p2, p0  }
0x20: {  	[sflag:s8] =	ssyncset.s32 @!p0 $0xFFFFF086;
	s6 =	sadd.s32 @!p0 s3, s7;
	s7 =	simm.s32 @!p0 $0x108  }
0x21: {  	s3 =	sadd.s32 s3, s9;
	s6 =	sadd.s32 @!p0 $0x88, s6;
	s7 =	simm.s32 @p2 $0x1082  }
0x22: {  	[simem:s7], [sflag:s8] =	dma.local @!p0 [hbm:s6], $0xF7A  }
0x23: {  	s9 =	sor.u32 $0xD0000000, s2;
	s6 =	simm.s32 $0x108;
	_ =	swait.ge @!p0 [sflag:s8], $0x0  }
0x24: {  	s3 =	sadd.s32 $0x88, s3;
	s6 =	simm.s32 @!p1 $0x1082;
	[sflag:s4] =	ssyncset.s32 $0xFFFFF086  }
0x25: {  	[simem:s6], [sflag:s4] =	dma.local [hbm:s3], $0xF7A  }
0x26: {  	[smem:$0x3F98] =	sst s1;
	(tag) =	ssettag s2;
	_ =	strace s9  }
0x27: {  	s1 =	sld [smem:$0x3FA8]  }
0x28: {  	s2 =	sld [smem:$0x3FA9]  }
0x29: {  	s4 =	sld [smem:$0x3FAB]  }
0x2a: {  	p0 =	seq.s32 s5, $0x0;
	s5 =	sld [smem:$0x3FAC]  }
0x2b: {  	s6 =	sld [smem:$0x3FAD]  }
0x2c: {  	s7 =	sld [smem:$0x3FAE]  }
0x2d: {  	s3 =	simm.s32 $0x108;
	s8 =	sld [smem:$0x3FAF]  }
0x2e: {  	s3 =	simm.s32 @!p0 $0x1082;
	s9 =	sld [smem:$0x3FB0]  }
0x2f: {  	lr =	sadd.s32 s0, s3;
	s0 =	sld [smem:$0x3FA7]  }
0x30: {  	s3 =	sld [smem:$0x3FAA]  }
0x31: {  	[smem:$0x3FB3] =	sst s10  }
0x32: {  	s10 =	sld [smem:$0x3FB1];
	_ =	sdelay $0x3  }
0x33: {  	p0 =	seq.s32 s10, $0x1;
	s10 =	sld [smem:$0x3FB3];
	_ =	sdelay $0x3  }
0x34: {  	[smem:$0x3FB3] =	sst s10  }
0x35: {  	s10 =	sld [smem:$0x3FB2];
	_ =	sdelay $0x3  }
0x36: {  	p1 =	seq.s32 s10, $0x1;
	s10 =	sld [smem:$0x3FB3];
	_ =	sdelay $0x3  }
0x37: {  	[smem:$0x3FB3] =	sst s10  }
0x38: {  	s10 =	sld [smem:$0x3FB4]  }
0x39: {  	_ = 	snop;
	(pc) =	sbr.ind lr, $3  }
0x3a: {  	_ = 	snop  }
0x3b: {  	_ = 	snop  }
0x3c: {  	p2 =	seq.s32 s10, $0x1;
	s10 =	sld [smem:$0x3FB3]  }
0x3d: {  	_ =	shalt  }
0x3e: {  	_ =	shalt  }
0x3f: {  	_ =	shalt  }
0x40: {  	_ =	shalt  }
0x41: {  	_ =	shalt  }
0x42: {  	_ =	shalt  }
0x43: {  	_ =	shalt  }
0x44: {  	_ =	shalt  }
0x45: {  	_ =	shalt  }
0x46: {  	_ =	shalt  }
0x47: {  	_ =	shalt  }
0x48: {  	_ =	shalt  }
0x49: {  	_ =	shalt  }
0x4a: {  	_ =	shalt  }
0x4b: {  	_ =	shalt  }
0x4c: {  	_ =	shalt  }
0x4d: {  	_ =	shalt  }
0x4e: {  	_ =	shalt  }
0x4f: {  	_ =	shalt  }
0x50: {  	_ =	shalt  }
0x51: {  	_ =	shalt  }
0x52: {  	_ =	shalt  }
0x53: {  	_ =	shalt  }
0x54: {  	_ =	shalt  }
0x55: {  	_ =	shalt  }
0x56: {  	_ =	shalt  }
0x57: {  	_ =	shalt  }
0x58: {  	_ =	shalt  }
0x59: {  	_ =	shalt  }
0x5a: {  	_ =	shalt  }
0x5b: {  	_ =	shalt  }
0x5c: {  	_ =	shalt  }
0x5d: {  	_ =	shalt  }
0x5e: {  	_ =	shalt  }
0x5f: {  	_ =	shalt  }
0x60: {  	_ =	shalt  }
0x61: {  	_ =	shalt  }
0x62: {  	_ =	shalt  }
0x63: {  	_ =	shalt  }
0x64: {  	_ =	shalt  }
0x65: {  	_ =	shalt  }
0x66: {  	_ =	shalt  }
0x67: {  	_ =	shalt  }
0x68: {  	_ =	shalt  }
0x69: {  	_ =	shalt  }
0x6a: {  	_ =	shalt  }
0x6b: {  	_ =	shalt  }
0x6c: {  	_ =	shalt  }
0x6d: {  	_ =	shalt  }
0x6e: {  	_ =	shalt  }
0x6f: {  	_ =	shalt  }
0x70: {  	_ =	shalt  }
0x71: {  	_ =	shalt  }
0x72: {  	_ =	shalt  }
0x73: {  	_ =	shalt  }
0x74: {  	_ =	shalt  }
0x75: {  	_ =	shalt  }
0x76: {  	_ =	shalt  }
0x77: {  	_ =	shalt  }
0x78: {  	_ =	shalt  }
0x79: {  	_ =	shalt  }
0x7a: {  	_ =	shalt  }
0x7b: {  	_ =	shalt  }
0x7c: {  	_ =	shalt  }
0x7d: {  	_ =	shalt  }
0x7e: {  	_ =	shalt  }
0x7f: {  	_ =	shalt  }
0x80: {  	_ =	shalt  }
0x81: {  	_ =	shalt  }
0x82: {  	_ =	shalt  }
0x83: {  	_ =	shalt  }
0x84: {  	_ =	shalt  }
0x85: {  	_ =	shalt  }
0x86: {  	_ =	shalt  }
0x87: {  	_ =	shalt  }
.Lfunc_end0:
.L_simem_size_0:
called_computation_lowered:
.L_overlay_start_0:
0x88: {  	s2 =	sld [smem:$0x3FD9]  }
0x89: {  	s3 =	sld [smem:$0x3FFE];
	_ =	sdelay $0x1  }
0x8a: {  	s1 =	srdreg.scid  }
0x8b: {  	s0 =	sand.u32 $0x1, s1  }
0x8c: {  	s17 =	sshll.u32 s0, $0xA;
	s2 =	sadd.s32 s3, s2  }
0x8d: {  	s2 =	sadd.s32 s2, s17  }
0x8e: {  	[smem:$0x3FBF] =	sst s2  }
0x8f: {  	_ = 	snop  }
0x90: {  	s2 =	sld [smem:$0x3FC7]  }
0x91: {  	s18 =	sld [smem:$0x3FD0];
	(tm) =	ssettm $0x1  }
0x92: {  	s4 =	sld [smem:$0x3FFB];
	_ =	sdelay $0x3  }
0x93: {  	_ =	strace s4  }
0x94: {  	s4 =	sld [smem:$0x3FFC];
	_ =	sdelay $0x3  }
0x95: {  	_ =	strace s4  }
0x96: {  	s4 =	sld [smem:$0x3FFD];
	_ =	sdelay $0x3  }
0x97: {  	_ =	strace s4  }
0x98: {  	_ =	strace $0x8FFFFFFF  }
0x99: {  	s19 =	sld [smem:$0x3FDB];
	_ =	sdelay $0x1  }
0x9a: {  	s5 =	simm.s32 $_scs_section_size  }
0x9b: {  	s6 =	simm.s32 $_size__tile_overlayer_lowered;
	s7 =	simm.s32 $_tile_overlayer_lowered  }
0x9c: {  	s22 =	simm.s32 $0x1BFF;
	s21 =	sshll.u32 s7, $0x1;
	s4 =	sadd.s32 s5, s19  }
0x9d: {  	s8 =	simm.s32 $0x0;
	s20 =	sshll.u32 s6, $0x1;
	s6 =	sadd.s32 s21, s4  }
0x9e: {  	[timem:s8], [sflag:s22] =	dma.local [hbm:s6], s20  }
0x9f: {  	_ =	swait.ge [sflag:s22], s20  }
0xa0: {  	s5 =	ssub.s32 $0x0, s20;
	[sflag:s22] =	ssyncset.done $0x0  }
0xa1: {  	[sflag:s22] =	ssyncadd.s32 s5;
	_ =	sdelay $0x1  }
0xa2: {  	s23 =	simm.s32 $0x1B8B  }
0xa3: {  	_ =	swait.ge [sflag:s23], $0x1  }
0xa4: {  	[sflag:s23] =	ssyncset.done $0x0  }
0xa5: {  	s25 =	simm.s32 $0x1B8E;
	s24 =	sld [smem:$0x3FFE];
	[sflag:s23] =	ssyncadd.s32 $0xFFFFFFFF  }
0xa6: {  	s26 =	simm.s32 $execute0_lowered;
	[smem:$0x3FD2] =	sst s25  }
0xa7: {  	s6 =	sshll.u32 s26, $0x1;
	_ =	strace $0x80000046;
	[dreg:$0x1] =	wrdreg $0xFFFFFFFF  }
0xa8: {  	s28 =	simm.s32 $_size_execute0_lowered;
	s4 =	sadd.s32 s4, s6;
	[dreg:$0x0] =	wrdreg $0x0  }
0xa9: {  	s6 =	sshll.u32 s28, $0x1;
	[dreg:$0x2] =	wrdreg s4  }
0xaa: {  	[dreg:$0x3] =	wrdreg s6  }
0xab: {  	[dreg:$0x4] =	wrdreg $0xC0  }
0xac: {  	_ =	task [dreg:s8], $0x5FFFF  }
0xad: {  	[dreg:$0x1] =	wrdreg $0xFFFFFFFF  }
0xae: {  	[dreg:$0x0] =	wrdreg $0x60  }
0xaf: {  	[dreg:$0x2] =	wrdreg s2  }
0xb0: {  	[dreg:$0x3] =	wrdreg s18  }
0xb1: {  	[dreg:$0x4] =	wrdreg s24  }
0xb2: {  	[dreg:$0x5] =	wrdreg $0x9  }
0xb3: {  	_ =	task.clear_ibuf [dreg:s8], $0x6FFFF;
	_ =	strace $0x90000046  }
0xb4: {  	s29 =	simm.s32 $0x9;
	_ =	strace $0x80000048  }
0xb5: {  	_ =	swait.ge [sflag:s29], $0x1  }
0xb6: {  	[sflag:s29] =	ssyncadd.s32 $0xFFFFFFFF  }
0xb7: {  	_ =	strace $0x90000048  }
0xb8: {  	_ =	sfence  }
0xb9: {  	s30 =	sld [smem:$0x0];
	_ =	sdelay $0x2  }
0xba: {  	s31 =	sshll.u32 s1, $0xD;
	s1 =	sshrl.u32 s1, $0x2  }
0xbb: {  	s3 =	sand.u32 $0x4000, s31;
	s1 =	sadd.s32 s1, s30  }
0xbc: {  	s0 =	sor.u32 s3, s0;
	s1 =	sshll.u32 s1, $0x11  }
0xbd: {  	s0 =	sor.u32 s1, s0  }
0xbe: {  	s0 =	sadd.s32 $0x8F2B, s0  }
0xbf: {  	[sflag:s0] =	ssyncadd.remote.s32 $0x1  }
0xc0: {  	_ =	sfence.sel $0xFFFF  }
0xc1: {  	[dreg:$0x0] =	wrdreg $0xFFFFFFFF;
	(pc) =	sbr.abs _section_cstart, $3  }
0xc2: {  	[dreg:$0x1] =	wrdreg $0xFFFFFFFF  }
0xc3: {  	_ =	task.clear_ibuf [dreg:s8], $0x2FFFF;
	_ =	strace $0x9FFFFFFF  }
0xc4: {  	(tm) =	ssettm $0x7FFFFFFF  }
0xc5: {  	_ =	shalt  }
tec
execute0_lowered:
.L_overlay_start_1:
0x0: {  	(tag) =	ssettag $0x1  }
0x1: {  	s1 =	rddreg [dreg:$0x0]  }
0x2: {  	s0 =	rddreg [dreg:$0x1];
	s2 =	srdreg.scid  }
0x3: {  	s3 =	stileid.u32;
	s4 =	rddreg [dreg:$0x2];
	s8 =	simm.s32 $0x3  }
0x4: {  	s9 =	simm.s32 $0x1;
	s19 =	simm.s32 $0x2;
	s21 =	simm.s32 $0xA00  }
0x5: {  	s28 =	simm.s32 $0x3200;
	s29 =	simm.s32 $0x3A00;
	s30 =	simm.s32 $0x4200  }
0x6: {  	s31 =	simm.s32 $0x4A00;
	s10 =	simm.s32 $0x6200;
	s11 =	simm.s32 $0x6A00  }
0x7: {  	s12 =	simm.s32 $0x7200;
	s13 =	simm.s32 $0x7A00;
	s18 =	simm.s32 $0x8200  }
0x8: {  	s14 =	simm.s32 $0x8A00;
	s15 =	simm.s32 $0x9200;
	s16 =	simm.s32 $0x9A00  }
0x9: {  	s2 =	sand.u32 $0x1, s2;
	s5 =	sshll.u32 s3, $0x1;
	s3 =	simm.s32 $0x0  }
0xa: {  	s17 =	simm.s32 $0xA200;
	s5 =	sor.u32 s2, s5;
	[smem:$0x7FF] =	sst s3  }
0xb: {  	s2 =	ssub.s32 $0x2, s2;
	s6 =	sshll.u32 s5, $0xE;
	s5 =	sshll.u32 s5, $0x6  }
0xc: {  	_ =	strace $0x80000047;
	s23 =	sshrl.u32 s2, $0x1;
	s6 =	sadd.s32 s6, s4  }
0xd: {  	s0 =	sadd.s32 s0, s5;
	s2 =	ssub.s32 s2, s23;
	s4 =	sadd.s32 $0x100, s1  }
0xe: {  	s5 =	sadd.s32 $0x200, s1;
	[dreg:$0x4] =	wrdreg s0;
	s22 =	sadd.s32 $0x1400, s6  }
0xf: {  	s23 =	simm.s32 $0x1A00;
	s24 =	sadd.s32 $0x2400, s6;
	[dreg:$0x5] =	wrdreg s22  }
0x10: {  	s25 =	sadd.s32 $0x3400, s6;
	s26 =	sadd.s32 $0x4400, s6;
	[dreg:$0x6] =	wrdreg s24  }
0x11: {  	v2 =	vlaneseq.u32;
	s6 =	sadd.s32 $0x300, s1;
	s7 =	smax.u32 s2, $0x1;
	[dreg:$0x7] =	wrdreg s25  }
0x12: {  	vm0 =	vmmov $0xffff;
	v1 =	vshrl.u32 v2, $0x3;
	s2 =	simm.s32 $0x5200;
	[dreg:$0x8] =	wrdreg s26;
	s25 =	simm.s32 $0x200  }
0x13: {  	v0 =	vand.u32 $0x7, v2;
	v2 =	vor.u32 $0x8, v2;
	v1 =	vmul.u32 $0x8, v1;
	s22 =	simm.s32 $0x1200;
	s24 =	simm.s32 $0x2200;
	s26 =	simm.s32 $0x2A00  }
.LBB2_1:
0x14: {  	s20 =	rddreg [dreg:$0x4]  }
0x15: {  	[tilespmem:s3], [sflag:$0x3] =	stream.linear.gather [hbm4b:s20+s3], $0x200, $0x38;
	[tilespmem:$0x10200] =	vst v63  }
0x16: {  	_ =	swait.ge [sflag:s8], $0x200  }
0x17: {  	[sflag:s8] =	ssyncset.done $0x0  }
0x18: {  	[sflag:s8] =	ssyncadd.s32 $0xFFFFFE00  }
0x19: {  	v3 =	vld [tilespmem:$0x0];
	_ =	sdelay $0x4  }
0x1a: {  	v4 =	vshll.u32 v3, $0x3  }
0x1b: {  	v3 =	vand.u32 $0x7, v3;
	v4 =	vand.u32 $0xFFFFFFC0, v4  }
0x1c: {  	v3 =	vor.u32 v3, v4  }
0x1d: {  	v4 =	vperm.xlane v3, v0;
	_ =	sdelay $0x1  }
0x1e: {  	v4 =	vadd.s32 v1, v4;
	_ =	sdelay $0x4  }
0x1f: {  	[tilespmem:s25], [sflag:$0x1] =	stream.indirect_vreg.gather [hbm4b:s1+s3], $0x80, v4, vm0, $0xb8;
	[tilespmem:$0x10200] =	vst v63  }
0x20: {  	v3 =	vperm.xlane v3, v2  }
0x21: {  	[tilespmem:s21], [sflag:$0x1] =	stream.indirect_vreg.gather [hbm4b:s4+s3], $0x80, v4, vm0, $0xb8;
	[tilespmem:$0x10200] =	vst v63  }
0x22: {  	v3 =	vadd.s32 v1, v3  }
0x23: {  	[tilespmem:s22], [sflag:$0x1] =	stream.indirect_vreg.gather [hbm4b:s5+s3], $0x80, v4, vm0, $0xb8;
	[tilespmem:$0x10200] =	vst v63  }
0x24: {  	_ = 	snop  }
0x25: {  	[tilespmem:s23], [sflag:$0x1] =	stream.indirect_vreg.gather [hbm4b:s6+s3], $0x80, v4, vm0, $0xb8;
	[tilespmem:$0x10200] =	vst v63  }
0x26: {  	_ = 	snop  }
0x27: {  	[tilespmem:s24], [sflag:$0x1] =	stream.indirect_vreg.gather [hbm4b:s1+s3], $0x80, v3, vm0, $0xb8;
	[tilespmem:$0x10200] =	vst v63  }
0x28: {  	_ = 	snop  }
0x29: {  	[tilespmem:s26], [sflag:$0x1] =	stream.indirect_vreg.gather [hbm4b:s4+s3], $0x80, v3, vm0, $0xb8;
	[tilespmem:$0x10200] =	vst v63  }
0x2a: {  	_ = 	snop  }
0x2b: {  	[tilespmem:s28], [sflag:$0x1] =	stream.indirect_vreg.gather [hbm4b:s5+s3], $0x80, v3, vm0, $0xb8;
	[tilespmem:$0x10200] =	vst v63  }
0x2c: {  	_ = 	snop  }
0x2d: {  	[tilespmem:s29], [sflag:$0x1] =	stream.indirect_vreg.gather [hbm4b:s6+s3], $0x80, v3, vm0, $0xb8;
	[tilespmem:$0x10200] =	vst v63  }
0x2e: {  	v3 =	vld [tilespmem:$0x10];
	_ =	sdelay $0x4  }
0x2f: {  	v57 =	vshll.u32 v3, $0x3  }
0x30: {  	v3 =	vand.u32 $0x7, v3;
	v4 =	vand.u32 $0xFFFFFFC0, v57  }
0x31: {  	v3 =	vor.u32 v3, v4  }
0x32: {  	v4 =	vperm.xlane v3, v0;
	_ =	sdelay $0x1  }
0x33: {  	v4 =	vadd.s32 v1, v4;
	_ =	sdelay $0x4  }
0x34: {  	[tilespmem:s30], [sflag:$0x1] =	stream.indirect_vreg.gather [hbm4b:s1+s3], $0x80, v4, vm0, $0xb8;
	[tilespmem:$0x10200] =	vst v63  }
0x35: {  	v3 =	vperm.xlane v3, v2  }
0x36: {  	[tilespmem:s31], [sflag:$0x1] =	stream.indirect_vreg.gather [hbm4b:s4+s3], $0x80, v4, vm0, $0xb8;
	[tilespmem:$0x10200] =	vst v63  }
0x37: {  	v3 =	vadd.s32 v1, v3  }
0x38: {  	[tilespmem:s2], [sflag:$0x1] =	stream.indirect_vreg.gather [hbm4b:s5+s3], $0x80, v4, vm0, $0xb8;
	[tilespmem:$0x10200] =	vst v63  }
0x39: {  	s0 =	simm.s32 $0x5A00  }
0x3a: {  	[tilespmem:s0], [sflag:$0x1] =	stream.indirect_vreg.gather [hbm4b:s6+s3], $0x80, v4, vm0, $0xb8;
	[tilespmem:$0x10200] =	vst v63  }
0x3b: {  	_ = 	snop  }
0x3c: {  	[tilespmem:s10], [sflag:$0x1] =	stream.indirect_vreg.gather [hbm4b:s1+s3], $0x80, v3, vm0, $0xb8;
	[tilespmem:$0x10200] =	vst v63  }
0x3d: {  	_ = 	snop  }
0x3e: {  	[tilespmem:s11], [sflag:$0x1] =	stream.indirect_vreg.gather [hbm4b:s4+s3], $0x80, v3, vm0, $0xb8;
	[tilespmem:$0x10200] =	vst v63  }
0x3f: {  	_ = 	snop  }
0x40: {  	[tilespmem:s12], [sflag:$0x1] =	stream.indirect_vreg.gather [hbm4b:s5+s3], $0x80, v3, vm0, $0xb8;
	[tilespmem:$0x10200] =	vst v63  }
0x41: {  	_ = 	snop  }
0x42: {  	[tilespmem:s13], [sflag:$0x1] =	stream.indirect_vreg.gather [hbm4b:s6+s3], $0x80, v3, vm0, $0xb8;
	[tilespmem:$0x10200] =	vst v63  }
0x43: {  	v3 =	vld [tilespmem:$0x80];
	_ =	sdelay $0x4  }
0x44: {  	v58 =	vshll.u32 v3, $0x3  }
0x45: {  	v3 =	vand.u32 $0x7, v3;
	v4 =	vand.u32 $0xFFFFFFC0, v58  }
0x46: {  	v3 =	vor.u32 v3, v4  }
0x47: {  	v4 =	vperm.xlane v3, v0;
	_ =	sdelay $0x1  }
0x48: {  	v4 =	vadd.s32 v1, v4;
	_ =	sdelay $0x4  }
0x49: {  	[tilespmem:s18], [sflag:$0x2] =	stream.indirect_vreg.gather [hbm4b:s1+s3], $0x80, v4, vm0, $0xb8;
	[tilespmem:$0x10200] =	vst v63  }
0x4a: {  	v3 =	vperm.xlane v3, v2  }
0x4b: {  	[tilespmem:s14], [sflag:$0x2] =	stream.indirect_vreg.gather [hbm4b:s4+s3], $0x80, v4, vm0, $0xb8;
	[tilespmem:$0x10200] =	vst v63  }
0x4c: {  	v3 =	vadd.s32 v1, v3  }
0x4d: {  	[tilespmem:s15], [sflag:$0x2] =	stream.indirect_vreg.gather [hbm4b:s5+s3], $0x80, v4, vm0, $0xb8;
	[tilespmem:$0x10200] =	vst v63  }
0x4e: {  	_ = 	snop  }
0x4f: {  	[tilespmem:s16], [sflag:$0x2] =	stream.indirect_vreg.gather [hbm4b:s6+s3], $0x80, v4, vm0, $0xb8;
	[tilespmem:$0x10200] =	vst v63  }
0x50: {  	_ = 	snop  }
0x51: {  	[tilespmem:s17], [sflag:$0x2] =	stream.indirect_vreg.gather [hbm4b:s1+s3], $0x80, v3, vm0, $0xb8;
	[tilespmem:$0x10200] =	vst v63  }
0x52: {  	s20 =	simm.s32 $0xAA00  }
0x53: {  	[tilespmem:s20], [sflag:$0x2] =	stream.indirect_vreg.gather [hbm4b:s4+s3], $0x80, v3, vm0, $0xb8;
	[tilespmem:$0x10200] =	vst v63  }
0x54: {  	s20 =	simm.s32 $0xB200  }
0x55: {  	[tilespmem:s20], [sflag:$0x2] =	stream.indirect_vreg.gather [hbm4b:s5+s3], $0x80, v3, vm0, $0xb8;
	[tilespmem:$0x10200] =	vst v63  }
0x56: {  	s20 =	simm.s32 $0xBA00  }
0x57: {  	[tilespmem:s20], [sflag:$0x2] =	stream.indirect_vreg.gather [hbm4b:s6+s3], $0x80, v3, vm0, $0xb8;
	[tilespmem:$0x10200] =	vst v63  }
0x58: {  	v3 =	vld [tilespmem:$0x90];
	_ =	sdelay $0x4  }
0x59: {  	v59 =	vshll.u32 v3, $0x3  }
0x5a: {  	v3 =	vand.u32 $0x7, v3;
	v4 =	vand.u32 $0xFFFFFFC0, v59  }
0x5b: {  	v3 =	vor.u32 v3, v4  }
0x5c: {  	v4 =	vperm.xlane v3, v0;
	_ =	sdelay $0x1  }
0x5d: {  	v4 =	vadd.s32 v1, v4;
	_ =	sdelay $0x3  }
0x5e: {  	s20 =	simm.s32 $0xC200  }
0x5f: {  	[tilespmem:s20], [sflag:$0x2] =	stream.indirect_vreg.gather [hbm4b:s1+s3], $0x80, v4, vm0, $0xb8;
	[tilespmem:$0x10200] =	vst v63  }
0x60: {  	v3 =	vperm.xlane v3, v2;
	s20 =	simm.s32 $0xCA00  }
0x61: {  	[tilespmem:s20], [sflag:$0x2] =	stream.indirect_vreg.gather [hbm4b:s4+s3], $0x80, v4, vm0, $0xb8;
	[tilespmem:$0x10200] =	vst v63  }
0x62: {  	v3 =	vadd.s32 v1, v3;
	s20 =	simm.s32 $0xD200  }
0x63: {  	[tilespmem:s20], [sflag:$0x2] =	stream.indirect_vreg.gather [hbm4b:s5+s3], $0x80, v4, vm0, $0xb8;
	[tilespmem:$0x10200] =	vst v63  }
0x64: {  	s20 =	simm.s32 $0xDA00  }
0x65: {  	[tilespmem:s20], [sflag:$0x2] =	stream.indirect_vreg.gather [hbm4b:s6+s3], $0x80, v4, vm0, $0xb8;
	[tilespmem:$0x10200] =	vst v63  }
0x66: {  	s20 =	simm.s32 $0xE200  }
0x67: {  	[tilespmem:s20], [sflag:$0x2] =	stream.indirect_vreg.gather [hbm4b:s1+s3], $0x80, v3, vm0, $0xb8;
	[tilespmem:$0x10200] =	vst v63  }
0x68: {  	s20 =	simm.s32 $0xEA00  }
0x69: {  	[tilespmem:s20], [sflag:$0x2] =	stream.indirect_vreg.gather [hbm4b:s4+s3], $0x80, v3, vm0, $0xb8;
	[tilespmem:$0x10200] =	vst v63  }
0x6a: {  	s20 =	simm.s32 $0xF200  }
0x6b: {  	[tilespmem:s20], [sflag:$0x2] =	stream.indirect_vreg.gather [hbm4b:s5+s3], $0x80, v3, vm0, $0xb8;
	[tilespmem:$0x10200] =	vst v63  }
0x6c: {  	s20 =	simm.s32 $0xFA00  }
0x6d: {  	[tilespmem:s20], [sflag:$0x2] =	stream.indirect_vreg.gather [hbm4b:s6+s3], $0x80, v3, vm0, $0xb8;
	[tilespmem:$0x10200] =	vst v63  }
0x6e: {  	_ =	swait.ge [sflag:s9], $0x8000  }
0x6f: {  	[sflag:s9] =	ssyncset.done $0x0  }
0x70: {  	s20 =	rddreg [dreg:$0x5];
	[sflag:s9] =	ssyncadd.s32 $0xFFFF8000  }
0x71: {  	[hbm4b:s20+s3] =	stream.linear.scatter [tilespmem:s25], [sflag:$0x3], $0x8000, $0x38;
	[tilespmem:$0x10200] =	vst v63  }
0x72: {  	_ =	swait.ge [sflag:s8], $0x8000  }
0x73: {  	[sflag:s8] =	ssyncset.done $0x0  }
0x74: {  	[sflag:s8] =	ssyncadd.s32 $0xFFFF8000  }
0x75: {  	v3 =	vld [tilespmem:$0x100];
	_ =	sdelay $0x4  }
0x76: {  	v60 =	vshll.u32 v3, $0x3  }
0x77: {  	v3 =	vand.u32 $0x7, v3;
	v4 =	vand.u32 $0xFFFFFFC0, v60  }
0x78: {  	v3 =	vor.u32 v3, v4  }
0x79: {  	v4 =	vperm.xlane v3, v0;
	_ =	sdelay $0x1  }
0x7a: {  	v4 =	vadd.s32 v1, v4;
	_ =	sdelay $0x4  }
0x7b: {  	[tilespmem:s25], [sflag:$0x1] =	stream.indirect_vreg.gather [hbm4b:s1+s3], $0x80, v4, vm0, $0xb8;
	[tilespmem:$0x10200] =	vst v63  }
0x7c: {  	v3 =	vperm.xlane v3, v2  }
0x7d: {  	[tilespmem:s21], [sflag:$0x1] =	stream.indirect_vreg.gather [hbm4b:s4+s3], $0x80, v4, vm0, $0xb8;
	[tilespmem:$0x10200] =	vst v63  }
0x7e: {  	v3 =	vadd.s32 v1, v3  }
0x7f: {  	[tilespmem:s22], [sflag:$0x1] =	stream.indirect_vreg.gather [hbm4b:s5+s3], $0x80, v4, vm0, $0xb8;
	[tilespmem:$0x10200] =	vst v63  }
0x80: {  	_ = 	snop  }
0x81: {  	[tilespmem:s23], [sflag:$0x1] =	stream.indirect_vreg.gather [hbm4b:s6+s3], $0x80, v4, vm0, $0xb8;
	[tilespmem:$0x10200] =	vst v63  }
0x82: {  	_ = 	snop  }
0x83: {  	[tilespmem:s24], [sflag:$0x1] =	stream.indirect_vreg.gather [hbm4b:s1+s3], $0x80, v3, vm0, $0xb8;
	[tilespmem:$0x10200] =	vst v63  }
0x84: {  	_ = 	snop  }
0x85: {  	[tilespmem:s26], [sflag:$0x1] =	stream.indirect_vreg.gather [hbm4b:s4+s3], $0x80, v3, vm0, $0xb8;
	[tilespmem:$0x10200] =	vst v63  }
0x86: {  	_ = 	snop  }
0x87: {  	[tilespmem:s28], [sflag:$0x1] =	stream.indirect_vreg.gather [hbm4b:s5+s3], $0x80, v3, vm0, $0xb8;
	[tilespmem:$0x10200] =	vst v63  }
0x88: {  	_ = 	snop  }
0x89: {  	[tilespmem:s29], [sflag:$0x1] =	stream.indirect_vreg.gather [hbm4b:s6+s3], $0x80, v3, vm0, $0xb8;
	[tilespmem:$0x10200] =	vst v63  }
0x8a: {  	v3 =	vld [tilespmem:$0x110];
	_ =	sdelay $0x4  }
0x8b: {  	v61 =	vshll.u32 v3, $0x3  }
0x8c: {  	v3 =	vand.u32 $0x7, v3;
	v4 =	vand.u32 $0xFFFFFFC0, v61  }
0x8d: {  	v3 =	vor.u32 v3, v4  }
0x8e: {  	v4 =	vperm.xlane v3, v0;
	_ =	sdelay $0x1  }
0x8f: {  	v4 =	vadd.s32 v1, v4;
	_ =	sdelay $0x4  }
0x90: {  	[tilespmem:s30], [sflag:$0x1] =	stream.indirect_vreg.gather [hbm4b:s1+s3], $0x80, v4, vm0, $0xb8;
	[tilespmem:$0x10200] =	vst v63  }
0x91: {  	v3 =	vperm.xlane v3, v2  }
0x92: {  	[tilespmem:s31], [sflag:$0x1] =	stream.indirect_vreg.gather [hbm4b:s4+s3], $0x80, v4, vm0, $0xb8;
	[tilespmem:$0x10200] =	vst v63  }
0x93: {  	v3 =	vadd.s32 v1, v3  }
0x94: {  	[tilespmem:s2], [sflag:$0x1] =	stream.indirect_vreg.gather [hbm4b:s5+s3], $0x80, v4, vm0, $0xb8;
	[tilespmem:$0x10200] =	vst v63  }
0x95: {  	_ = 	snop  }
0x96: {  	[tilespmem:s0], [sflag:$0x1] =	stream.indirect_vreg.gather [hbm4b:s6+s3], $0x80, v4, vm0, $0xb8;
	[tilespmem:$0x10200] =	vst v63  }
0x97: {  	_ = 	snop  }
0x98: {  	[tilespmem:s10], [sflag:$0x1] =	stream.indirect_vreg.gather [hbm4b:s1+s3], $0x80, v3, vm0, $0xb8;
	[tilespmem:$0x10200] =	vst v63  }
0x99: {  	_ = 	snop  }
0x9a: {  	[tilespmem:s11], [sflag:$0x1] =	stream.indirect_vreg.gather [hbm4b:s4+s3], $0x80, v3, vm0, $0xb8;
	[tilespmem:$0x10200] =	vst v63  }
0x9b: {  	_ = 	snop  }
0x9c: {  	[tilespmem:s12], [sflag:$0x1] =	stream.indirect_vreg.gather [hbm4b:s5+s3], $0x80, v3, vm0, $0xb8;
	[tilespmem:$0x10200] =	vst v63  }
0x9d: {  	_ = 	snop  }
0x9e: {  	[tilespmem:s13], [sflag:$0x1] =	stream.indirect_vreg.gather [hbm4b:s6+s3], $0x80, v3, vm0, $0xb8;
	[tilespmem:$0x10200] =	vst v63  }
0x9f: {  	_ =	swait.ge [sflag:s19], $0x8000  }
0xa0: {  	[sflag:s19] =	ssyncset.done $0x0  }
0xa1: {  	s0 =	rddreg [dreg:$0x6];
	[sflag:s19] =	ssyncadd.s32 $0xFFFF8000  }
0xa2: {  	[hbm4b:s0+s3] =	stream.linear.scatter [tilespmem:s18], [sflag:$0x3], $0x8000, $0x38;
	[tilespmem:$0x10200] =	vst v63  }
0xa3: {  	_ =	swait.ge [sflag:s8], $0x8000  }
0xa4: {  	[sflag:s8] =	ssyncset.done $0x0  }
0xa5: {  	[sflag:s8] =	ssyncadd.s32 $0xFFFF8000  }
0xa6: {  	v3 =	vld [tilespmem:$0x180];
	_ =	sdelay $0x4  }
0xa7: {  	v62 =	vshll.u32 v3, $0x3  }
0xa8: {  	v3 =	vand.u32 $0x7, v3;
	v4 =	vand.u32 $0xFFFFFFC0, v62  }
0xa9: {  	v3 =	vor.u32 v3, v4  }
0xaa: {  	v4 =	vperm.xlane v3, v0;
	_ =	sdelay $0x1  }
0xab: {  	v4 =	vadd.s32 v1, v4;
	_ =	sdelay $0x4  }
0xac: {  	[tilespmem:s18], [sflag:$0x2] =	stream.indirect_vreg.gather [hbm4b:s1+s3], $0x80, v4, vm0, $0xb8;
	[tilespmem:$0x10200] =	vst v63  }
0xad: {  	v3 =	vperm.xlane v3, v2  }
0xae: {  	[tilespmem:s14], [sflag:$0x2] =	stream.indirect_vreg.gather [hbm4b:s4+s3], $0x80, v4, vm0, $0xb8;
	[tilespmem:$0x10200] =	vst v63  }
0xaf: {  	v3 =	vadd.s32 v1, v3  }
0xb0: {  	[tilespmem:s15], [sflag:$0x2] =	stream.indirect_vreg.gather [hbm4b:s5+s3], $0x80, v4, vm0, $0xb8;
	[tilespmem:$0x10200] =	vst v63  }
0xb1: {  	_ = 	snop  }
0xb2: {  	[tilespmem:s16], [sflag:$0x2] =	stream.indirect_vreg.gather [hbm4b:s6+s3], $0x80, v4, vm0, $0xb8;
	[tilespmem:$0x10200] =	vst v63  }
0xb3: {  	_ = 	snop  }
0xb4: {  	[tilespmem:s17], [sflag:$0x2] =	stream.indirect_vreg.gather [hbm4b:s1+s3], $0x80, v3, vm0, $0xb8;
	[tilespmem:$0x10200] =	vst v63  }
0xb5: {  	s20 =	simm.s32 $0xAA00  }
0xb6: {  	[tilespmem:s20], [sflag:$0x2] =	stream.indirect_vreg.gather [hbm4b:s4+s3], $0x80, v3, vm0, $0xb8;
	[tilespmem:$0x10200] =	vst v63  }
0xb7: {  	s20 =	simm.s32 $0xB200  }
0xb8: {  	[tilespmem:s20], [sflag:$0x2] =	stream.indirect_vreg.gather [hbm4b:s5+s3], $0x80, v3, vm0, $0xb8;
	[tilespmem:$0x10200] =	vst v63  }
0xb9: {  	s20 =	simm.s32 $0xBA00  }
0xba: {  	[tilespmem:s20], [sflag:$0x2] =	stream.indirect_vreg.gather [hbm4b:s6+s3], $0x80, v3, vm0, $0xb8;
	[tilespmem:$0x10200] =	vst v63  }
0xbb: {  	v3 =	vld [tilespmem:$0x190];
	_ =	sdelay $0x4  }
0xbc: {  	v63 =	vshll.u32 v3, $0x3  }
0xbd: {  	v3 =	vand.u32 $0x7, v3;
	v4 =	vand.u32 $0xFFFFFFC0, v63  }
0xbe: {  	v3 =	vor.u32 v3, v4  }
0xbf: {  	v4 =	vperm.xlane v3, v0;
	_ =	sdelay $0x1  }
0xc0: {  	v4 =	vadd.s32 v1, v4;
	_ =	sdelay $0x3  }
0xc1: {  	s20 =	simm.s32 $0xC200  }
0xc2: {  	[tilespmem:s20], [sflag:$0x2] =	stream.indirect_vreg.gather [hbm4b:s1+s3], $0x80, v4, vm0, $0xb8;
	[tilespmem:$0x10200] =	vst v63  }
0xc3: {  	v3 =	vperm.xlane v3, v2;
	s20 =	simm.s32 $0xCA00  }
0xc4: {  	[tilespmem:s20], [sflag:$0x2] =	stream.indirect_vreg.gather [hbm4b:s4+s3], $0x80, v4, vm0, $0xb8;
	[tilespmem:$0x10200] =	vst v63  }
0xc5: {  	v3 =	vadd.s32 v1, v3;
	s20 =	simm.s32 $0xD200  }
0xc6: {  	[tilespmem:s20], [sflag:$0x2] =	stream.indirect_vreg.gather [hbm4b:s5+s3], $0x80, v4, vm0, $0xb8;
	[tilespmem:$0x10200] =	vst v63  }
0xc7: {  	s20 =	simm.s32 $0xDA00  }
0xc8: {  	[tilespmem:s20], [sflag:$0x2] =	stream.indirect_vreg.gather [hbm4b:s6+s3], $0x80, v4, vm0, $0xb8;
	[tilespmem:$0x10200] =	vst v63  }
0xc9: {  	s20 =	simm.s32 $0xE200  }
0xca: {  	[tilespmem:s20], [sflag:$0x2] =	stream.indirect_vreg.gather [hbm4b:s1+s3], $0x80, v3, vm0, $0xb8;
	[tilespmem:$0x10200] =	vst v63  }
0xcb: {  	s20 =	simm.s32 $0xEA00  }
0xcc: {  	[tilespmem:s20], [sflag:$0x2] =	stream.indirect_vreg.gather [hbm4b:s4+s3], $0x80, v3, vm0, $0xb8;
	[tilespmem:$0x10200] =	vst v63  }
0xcd: {  	s20 =	simm.s32 $0xF200  }
0xce: {  	[tilespmem:s20], [sflag:$0x2] =	stream.indirect_vreg.gather [hbm4b:s5+s3], $0x80, v3, vm0, $0xb8;
	[tilespmem:$0x10200] =	vst v63  }
0xcf: {  	s20 =	simm.s32 $0xFA00  }
0xd0: {  	[tilespmem:s20], [sflag:$0x2] =	stream.indirect_vreg.gather [hbm4b:s6+s3], $0x80, v3, vm0, $0xb8;
	[tilespmem:$0x10200] =	vst v63  }
0xd1: {  	_ =	swait.ge [sflag:s9], $0x8000  }
0xd2: {  	[sflag:s9] =	ssyncset.done $0x0  }
0xd3: {  	s0 =	rddreg [dreg:$0x7];
	[sflag:s9] =	ssyncadd.s32 $0xFFFF8000  }
0xd4: {  	[hbm4b:s0+s3] =	stream.linear.scatter [tilespmem:s25], [sflag:$0x3], $0x8000, $0x38;
	[tilespmem:$0x10200] =	vst v63  }
0xd5: {  	_ =	swait.ge [sflag:s8], $0x8000  }
0xd6: {  	[sflag:s8] =	ssyncset.done $0x0  }
0xd7: {  	[sflag:s8] =	ssyncadd.s32 $0xFFFF8000  }
0xd8: {  	_ =	swait.ge [sflag:s19], $0x8000  }
0xd9: {  	p0 =	sne.s32 s7, $0x1;
	[sflag:s19] =	ssyncset.done $0x0  }
.Ltmp0:
0xda: {  	s0 =	rddreg [dreg:$0x8];
	[sflag:s19] =	ssyncadd.s32 $0xFFFF8000;
	(pc) =	sbr.rel @p0 .LBB2_1-.Ltmp0, $4  }
0xdb: {  	[hbm4b:s0+s3] =	stream.linear.scatter [tilespmem:s18], [sflag:$0x3], $0x8000, $0x38;
	[tilespmem:$0x10200] =	vst v63  }
0xdc: {  	_ =	swait.ge [sflag:s8], $0x8000  }
0xdd: {  	[sflag:s8] =	ssyncset.done $0x0  }
0xde: {  	s7 =	sadd.s32 $0xFFFFFFFF, s7;
	[sflag:s8] =	ssyncadd.s32 $0xFFFF8000  }
0xdf: {  	_ =	sfence.sel $0x180000  }
0xe0: {  	[bflag:$0x0] =	sbarrier.arrive $0xFFFF  }
0xe1: {  	_ =	strace $0x90000047  }
0xe2: {  	s0 =	stileid.u32;
	[bflag:$0x2] =	sbarrier.arrive $0xFFFF  }
0xe3: {  	p0 =	sne.s32 s0, $0x0;
	s0 =	rddreg [dreg:$0x3]  }
0xe4: {  	s0 =	sadd.s32 @!p0 $0x100000, s0  }
0xe5: {  	[sflag:s0] =	ssyncadd.tile.s32 @!p0 $0x1;
	_ =	shalt  }
.Lfunc_end2:
_tile_overlayer_lowered:
.L_overlay_start_2:
0xe6: {  	(tag) =	ssettag $0x2  }
0xe7: {  	s0 =	rddreg [dreg:$0x0];
	s2 =	stileid.u32  }
0xe8: {  	s1 =	rddreg [dreg:$0x1];
	p0 =	sne.s32 s2, $0x0  }
0xe9: {  	s3 =	rddreg [dreg:$0x2];
	[bflag:$0x3] =	sbarrier.arrive $0xFFFF;
	s2 =	simm.s32 @!p0 $0x1C03  }
0xea: {  	[timem:s3], [sflag:s2] =	dma.local @!p0 [hbm:s0], s1  }
0xeb: {  	s0 =	simm.s32 @!p0 $0x3  }
0xec: {  	_ =	swait.ge @!p0 [sflag:s0], s1  }
0xed: {  	s1 =	ssub.s32 @!p0 $0x0, s1;
	[sflag:s0] =	ssyncset.done @!p0 $0x0  }
0xee: {  	[sflag:s0] =	ssyncadd.s32 @!p0 s1  }
0xef: {  	[bflag:$0x3] =	sbarrier.arrive $0xFFFF  }
0xf0: {  	_ =	shalt  }

</sc_bundles>
